<compile_context>
chip_gen: v7x
topology: tpu7x:2x2x1
jax: 0.10.2.dev20260603
libtpu: 0.0.44.dev20260713+nightly
codegen_flags: <defaults>
</compile_context>

<pallas_src>
import jax
import jax.numpy as jnp
from jax.experimental import pallas as pl
from jax.experimental.pallas import tpu as pltpu
from jax.experimental.pallas import tpu_sc as plsc

_TB = 256
_SC_ROWS = 8
_SC_LANES = 16


def _tc_add_kernel(x_ref, pos_ref, out_ref):
    out_ref[...] = x_ref[...] + pos_ref[...][None, :, :]


def _tc_part(x, pos_table, nb):
    B, T, D = x.shape
    return pl.pallas_call(
        _tc_add_kernel,
        grid=(T // _TB,),
        in_specs=[
            pl.BlockSpec((nb, _TB, D), lambda i: (0, i, 0)),
            pl.BlockSpec((_TB, D), lambda i: (i, 0)),
        ],
        out_specs=pl.BlockSpec((nb, _TB, D), lambda i: (0, i, 0)),
        out_shape=jax.ShapeDtypeStruct((nb, T, D), x.dtype),
    )(x, pos_table)


def _sc_full(x, pos_table):
    B, T, D = x.shape
    mesh = plsc.VectorSubcoreMesh(core_axis_name="core", subcore_axis_name="subcore")

    @pl.kernel(out_type=jax.ShapeDtypeStruct((B, T, D), x.dtype), mesh=mesh)
    def sc_kernel(x_hbm, pos_hbm, o_hbm):
        def body(x_vmem, pos_vmem, o_vmem):
            x2, o2 = x_vmem.at[0], o_vmem.at[0]

            @pl.loop(0, _SC_ROWS)
            def _(r):
                @pl.loop(0, D, step=_SC_LANES)
                def _(c):
                    slc = (pl.ds(r, 1), pl.ds(c, _SC_LANES))
                    o2.at[*slc][...] = x2.at[*slc][...] + pos_vmem.at[*slc][...]

        pltpu.emit_pipeline(
            body,
            grid=(B, T // _SC_ROWS),
            in_specs=[
                pl.BlockSpec((1, _SC_ROWS, D), index_map=lambda b, i: (b, i, 0)),
                pl.BlockSpec((_SC_ROWS, D), index_map=lambda b, i: (i, 0)),
            ],
            out_specs=[
                pl.BlockSpec((1, _SC_ROWS, D), index_map=lambda b, i: (b, i, 0))
            ],
            core_axis_name=("core", "subcore"),
            dimension_semantics=(pltpu.PARALLEL, pltpu.PARALLEL),
        )(x_hbm, pos_hbm, o_hbm)

    return sc_kernel(x, pos_table)


def _tc_part_last(x, pos_table):
    B, T, D = x.shape
    return pl.pallas_call(
        _tc_add_kernel,
        grid=(T // _TB,),
        in_specs=[
            pl.BlockSpec((1, _TB, D), lambda i: (B - 1, i, 0)),
            pl.BlockSpec((_TB, D), lambda i: (i, 0)),
        ],
        out_specs=pl.BlockSpec((1, _TB, D), lambda i: (0, i, 0)),
        out_shape=jax.ShapeDtypeStruct((1, T, D), x.dtype),
    )(x, pos_table)


def kernel(x, pos_table):
    return _sc_full(x, pos_table)

# --- scband reference (transcript-rebuilt; emitter-appended) ---
"""Pipeline reference for scband-learned-positional-encoding-56358560858191 (READ-ONLY COPY).

The authoritative reference and input builder live on the scoring server;
editing this copy changes nothing except your own understanding.
"""

import jax, jax.numpy as jnp
import numpy as np

CONTEXT_LEN = 8192
D_MODEL = 2048

def setup_inputs(seed: int = 0) -> dict:
    key = jax.random.key(seed)
    k1, k2 = jax.random.split(key)
    x = jax.random.normal(k1, (4, 8192, D_MODEL), dtype=jnp.float32)
    pos_table = jax.random.normal(k2, (CONTEXT_LEN, D_MODEL), dtype=jnp.float32) * 0.02
    return {"x": x, "pos_table": pos_table}

def reference(x, pos_table):
    # Faithful translation of LearnedPositionalEncoding.forward (eval mode, dropout p=0.0)
    T = x.shape[1]
    pos_embedding = jnp.take(pos_table, jnp.arange(T), axis=0)  # embedding lookup
    # dropout with p=0.0 is identity in eval/train
    out = x + pos_embedding[None, :, :]
    return out

if __name__ == "__main__":
    import jax
    _d = setup_inputs()
    print(jax.jit(kernel)(*tuple(_d.values())))

</pallas_src>

<mosaic_0001>
#map = affine_map<(d0, d1) -> (0, 0, 0)>
#map1 = affine_map<(d0, d1) -> (0, 0)>
module attributes {stable_mosaic.version = 14 : i64} {
  func.func @sc_kernel(%arg0: i32, %arg1: i32, %arg2: memref<4x8192x2048xf32, #tpu.memory_space<hbm>>, %arg3: memref<8192x2048xf32, #tpu.memory_space<hbm>>, %arg4: memref<4x8192x2048xf32, #tpu.memory_space<hbm>>) attributes {dimension_semantics = [#tpu.dimension_semantics<core_parallel>, #tpu.dimension_semantics<subcore_parallel>], iteration_bounds = array<i64: 2, 16>, scalar_prefetch = 0 : i64, scratch_operands = 0 : i64, tpu.core_type = #tpu.core_type<sc_vector_subcore>, window_params = [{transform_indices = #map}, {transform_indices = #map1}, {transform_indices = #map}]} {
    %mul3A = arith.constant 1 : i32
    %mul3A_0 = arith.muli %arg1, %mul3A : i32
    %add3A = arith.constant 0 : i32
    %add3A_1 = arith.addi %add3A, %mul3A_0 : i32
    %mul3A_2 = arith.constant 16 : i32
    %mul3A_3 = arith.muli %arg0, %mul3A_2 : i32
    %add3A_4 = arith.addi %add3A_1, %mul3A_3 : i32
    %mul3A_5 = arith.constant 32 : i32
    %mul3A_6 = arith.muli %add3A_4, %mul3A_5 : i32
    "tpu.region"() ({
      %run_scoped3A = memref.alloca() : memref<2x1x8x2048xf32, #tpu.memory_space<vmem>>
      %run_scoped3A_7 = tpu.sem_alloc : memref<2x!tpu.dma_semaphore, #tpu.memory_space<semaphore_mem>>
      %run_scoped3A_8 = memref.alloca() : memref<2x8x2048xf32, #tpu.memory_space<vmem>>
      %run_scoped3A_9 = tpu.sem_alloc : memref<2x!tpu.dma_semaphore, #tpu.memory_space<semaphore_mem>>
      %run_scoped3A_10 = memref.alloca() : memref<2x1x8x2048xf32, #tpu.memory_space<vmem>>
      %run_scoped3A_11 = tpu.sem_alloc : memref<2x!tpu.dma_semaphore, #tpu.memory_space<semaphore_mem>>
      %add3A_12 = arith.constant 0 : i32
      %add3A_13 = arith.addi %add3A_12, %mul3A_6 : i32
      %select_n3A = arith.constant true
      %select_n3A_14 = arith.constant 0 : i32
      %select_n3A_15 = arith.constant -1 : i32
      %select_n3A_16 = arith.select %select_n3A, %select_n3A_15, %select_n3A_14 : i32
      %eq3A = arith.constant -1 : i32
      %eq3A_17 = arith.cmpi eq, %select_n3A_16, %eq3A : i32
      %select_n3A_18 = arith.constant 31 : i32
      %select_n3A_19 = arith.select %eq3A_17, %select_n3A_18, %select_n3A_16 : i32
      %select_n3A_20 = arith.constant 0 : i32
      %select_n3A_21 = arith.constant -1 : i32
      %select_n3A_22 = arith.select %eq3A_17, %select_n3A_21, %select_n3A_20 : i32
      %eq3A_23 = arith.constant -1 : i32
      %eq3A_24 = arith.cmpi eq, %select_n3A_22, %eq3A_23 : i32
      %select_n3A_25 = arith.constant 3 : i32
      %select_n3A_26 = arith.select %eq3A_24, %select_n3A_25, %select_n3A_22 : i32
      %add3A_27 = arith.constant 0 : i32
      %add3A_28 = arith.addi %select_n3A_26, %add3A_27 : i32
      %add3A_29 = arith.addi %select_n3A_19, %mul3A_6 : i32
      %select_n3A_30 = arith.constant true
      %select_n3A_31 = arith.constant 0 : i32
      %select_n3A_32 = arith.constant 1 : i32
      %select_n3A_33 = arith.select %select_n3A_30, %select_n3A_32, %select_n3A_31 : i32
      %eq3A_34 = arith.constant 32 : i32
      %eq3A_35 = arith.cmpi eq, %select_n3A_33, %eq3A_34 : i32
      %select_n3A_36 = arith.constant 0 : i32
      %select_n3A_37 = arith.select %eq3A_35, %select_n3A_36, %select_n3A_33 : i32
      %select_n3A_38 = arith.constant 0 : i32
      %select_n3A_39 = arith.constant 1 : i32
      %select_n3A_40 = arith.select %eq3A_35, %select_n3A_39, %select_n3A_38 : i32
      %eq3A_41 = arith.constant 4 : i32
      %eq3A_42 = arith.cmpi eq, %select_n3A_40, %eq3A_41 : i32
      %select_n3A_43 = arith.constant 0 : i32
      %select_n3A_44 = arith.select %eq3A_42, %select_n3A_43, %select_n3A_40 : i32
      %add3A_45 = arith.constant 0 : i32
      %add3A_46 = arith.addi %select_n3A_44, %add3A_45 : i32
      %add3A_47 = arith.addi %select_n3A_37, %mul3A_6 : i32
      %add3A_48 = arith.constant 1 : i32
      %add3A_49 = arith.addi %select_n3A_37, %add3A_48 : i32
      %select_n3A_50 = arith.constant true
      %select_n3A_51 = arith.select %select_n3A_50, %add3A_49, %select_n3A_37 : i32
      %eq3A_52 = arith.constant 32 : i32
      %eq3A_53 = arith.cmpi eq, %select_n3A_51, %eq3A_52 : i32
      %select_n3A_54 = arith.constant 0 : i32
      %select_n3A_55 = arith.select %eq3A_53, %select_n3A_54, %select_n3A_51 : i32
      %add3A_56 = arith.constant 1 : i32
      %add3A_57 = arith.addi %select_n3A_44, %add3A_56 : i32
      %select_n3A_58 = arith.select %eq3A_53, %add3A_57, %select_n3A_44 : i32
      %eq3A_59 = arith.constant 4 : i32
      %eq3A_60 = arith.cmpi eq, %select_n3A_58, %eq3A_59 : i32
      %select_n3A_61 = arith.constant 0 : i32
      %select_n3A_62 = arith.select %eq3A_60, %select_n3A_61, %select_n3A_58 : i32
      %add3A_63 = arith.constant 0 : i32
      %add3A_64 = arith.addi %select_n3A_62, %add3A_63 : i32
      %add3A_65 = arith.addi %select_n3A_55, %mul3A_6 : i32
      "tpu.trace_start"() <{level = 10 : i32, message = "ep_initialize_0"}> : () -> ()
      %rem3A = arith.constant 0 : i32
      %rem3A_66 = arith.constant 2 : i32
      %rem3A_67 = arith.remui %rem3A, %rem3A_66 : i32
      %mul3A_68 = arith.constant 8 : i32
      %mul3A_69 = arith.muli %mul3A_68, %add3A_13 : i32
      %dma_start3A = arith.constant 0 : i32
      %dma_start3A_70 = arith.constant 0 : i32
      %dma_start3A_71 = arith.constant 0 : i32
      %dma_start3A_72 = tpu.memref_slice %run_scoped3A[%rem3A_67, %dma_start3A, %dma_start3A_70, %dma_start3A_71] : memref<2x1x8x2048xf32, #tpu.memory_space<vmem>> -> memref<1x1x8x2048xf32, #tpu.memory_space<vmem>>
      %dma_start3A_73 = tpu.memref_squeeze %dma_start3A_72 : memref<1x1x8x2048xf32, #tpu.memory_space<vmem>> -> memref<1x8x2048xf32, #tpu.memory_space<vmem>>
      %dma_start3A_74 = arith.constant 0 : i32
      %dma_start3A_75 = arith.constant 0 : i32
      %dma_start3A_76 = tpu.memref_slice %arg2[%dma_start3A_74, %mul3A_69, %dma_start3A_75] : memref<4x8192x2048xf32, #tpu.memory_space<hbm>> -> memref<1x8x2048xf32, #tpu.memory_space<hbm>>
      %dma_start3A_77 = tpu.memref_slice %run_scoped3A_7[%rem3A_67] : memref<2x!tpu.dma_semaphore, #tpu.memory_space<semaphore_mem>> -> memref<1x!tpu.dma_semaphore, #tpu.memory_space<semaphore_mem>>
      %dma_start3A_78 = tpu.memref_squeeze %dma_start3A_77 : memref<1x!tpu.dma_semaphore, #tpu.memory_space<semaphore_mem>> -> memref<!tpu.dma_semaphore, #tpu.memory_space<semaphore_mem>>
      %dma_start3A_79 = arith.constant 0 : i32
      %dma_start3A_80 = arith.constant 0 : i32
      %dma_start3A_81 = arith.constant 0 : i32
      %dma_start3A_82 = tpu.memref_slice %run_scoped3A[%rem3A_67, %dma_start3A_79, %dma_start3A_80, %dma_start3A_81] : memref<2x1x8x2048xf32, #tpu.memory_space<vmem>> -> memref<1x1x8x2048xf32, #tpu.memory_space<vmem>>
      %dma_start3A_83 = tpu.memref_squeeze %dma_start3A_82 : memref<1x1x8x2048xf32, #tpu.memory_space<vmem>> -> memref<1x8x2048xf32, #tpu.memory_space<vmem>>
      %dma_start3A_84 = arith.constant 0 : i32
      %dma_start3A_85 = arith.constant 0 : i32
      %dma_start3A_86 = tpu.memref_slice %arg2[%dma_start3A_84, %mul3A_69, %dma_start3A_85] : memref<4x8192x2048xf32, #tpu.memory_space<hbm>> -> memref<1x8x2048xf32, #tpu.memory_space<hbm>>
      tpu.enqueue_dma source(%dma_start3A_86 : memref<1x8x2048xf32, #tpu.memory_space<hbm>>) target(%dma_start3A_83 : memref<1x8x2048xf32, #tpu.memory_space<vmem>>) target_semaphore(%dma_start3A_78 : memref<!tpu.dma_semaphore, #tpu.memory_space<semaphore_mem>>)
      %add3A_87 = arith.constant 0 : i32
      %add3A_88 = arith.constant 1 : i32
      %add3A_89 = arith.addi %add3A_87, %add3A_88 : i32
      %select_n3A_90 = arith.constant true
      %select_n3A_91 = arith.constant 0 : i32
      %select_n3A_92 = arith.select %select_n3A_90, %add3A_89, %select_n3A_91 : i32
      %rem3A_93 = arith.constant 0 : i32
      %rem3A_94 = arith.constant 2 : i32
      %rem3A_95 = arith.remui %rem3A_93, %rem3A_94 : i32
      %mul3A_96 = arith.constant 8 : i32
      %mul3A_97 = arith.muli %mul3A_96, %add3A_13 : i32
      %dma_start3A_98 = arith.constant 0 : i32
      %dma_start3A_99 = arith.constant 0 : i32
      %dma_start3A_100 = tpu.memref_slice %run_scoped3A_8[%rem3A_95, %dma_start3A_98, %dma_start3A_99] : memref<2x8x2048xf32, #tpu.memory_space<vmem>> -> memref<1x8x2048xf32, #tpu.memory_space<vmem>>
      %dma_start3A_101 = tpu.memref_squeeze %dma_start3A_100 : memref<1x8x2048xf32, #tpu.memory_space<vmem>> -> memref<8x2048xf32, #tpu.memory_space<vmem>>
      %dma_start3A_102 = arith.constant 0 : i32
      %dma_start3A_103 = tpu.memref_slice %arg3[%mul3A_97, %dma_start3A_102] : memref<8192x2048xf32, #tpu.memory_space<hbm>> -> memref<8x2048xf32, #tpu.memory_space<hbm>>
      %dma_start3A_104 = tpu.memref_slice %run_scoped3A_9[%rem3A_95] : memref<2x!tpu.dma_semaphore, #tpu.memory_space<semaphore_mem>> -> memref<1x!tpu.dma_semaphore, #tpu.memory_space<semaphore_mem>>
      %dma_start3A_105 = tpu.memref_squeeze %dma_start3A_104 : memref<1x!tpu.dma_semaphore, #tpu.memory_space<semaphore_mem>> -> memref<!tpu.dma_semaphore, #tpu.memory_space<semaphore_mem>>
      %dma_start3A_106 = arith.constant 0 : i32
      %dma_start3A_107 = arith.constant 0 : i32
      %dma_start3A_108 = tpu.memref_slice %run_scoped3A_8[%rem3A_95, %dma_start3A_106, %dma_start3A_107] : memref<2x8x2048xf32, #tpu.memory_space<vmem>> -> memref<1x8x2048xf32, #tpu.memory_space<vmem>>
      %dma_start3A_109 = tpu.memref_squeeze %dma_start3A_108 : memref<1x8x2048xf32, #tpu.memory_space<vmem>> -> memref<8x2048xf32, #tpu.memory_space<vmem>>
      %dma_start3A_110 = arith.constant 0 : i32
      %dma_start3A_111 = tpu.memref_slice %arg3[%mul3A_97, %dma_start3A_110] : memref<8192x2048xf32, #tpu.memory_space<hbm>> -> memref<8x2048xf32, #tpu.memory_space<hbm>>
      tpu.enqueue_dma source(%dma_start3A_111 : memref<8x2048xf32, #tpu.memory_space<hbm>>) target(%dma_start3A_109 : memref<8x2048xf32, #tpu.memory_space<vmem>>) target_semaphore(%dma_start3A_105 : memref<!tpu.dma_semaphore, #tpu.memory_space<semaphore_mem>>)
      %add3A_112 = arith.constant 0 : i32
      %add3A_113 = arith.constant 1 : i32
      %add3A_114 = arith.addi %add3A_112, %add3A_113 : i32
      %select_n3A_115 = arith.constant true
      %select_n3A_116 = arith.constant 0 : i32
      %select_n3A_117 = arith.select %select_n3A_115, %add3A_114, %select_n3A_116 : i32
      "tpu.trace_stop"() : () -> ()
      %scan3A = arith.constant 0 : i32
      %scan3A_118 = arith.constant 0 : i32
      %scan3A_119 = arith.constant 0 : i32
      %scan3A_120 = arith.constant 0 : i32
      %scan3A_121 = arith.constant 0 : i32
      %scan3A_122 = arith.constant 0 : i32
      %scan3A_123 = arith.constant 0 : i32
      %scan3A_124 = arith.constant 128 : i32
      %scan3A_125 = arith.addi %scan3A_123, %scan3A_124 : i32
      %scan3A_126 = arith.constant 1 : i32
      %scan3A_127:8 = scf.for %scan3A_221 = %scan3A_123 to %scan3A_125 step %scan3A_126 iter_args(%scan3A_222 = %select_n3A_92, %scan3A_223 = %scan3A, %scan3A_224 = %select_n3A_117, %scan3A_225 = %scan3A_118, %scan3A_226 = %scan3A_119, %scan3A_227 = %scan3A_120, %scan3A_228 = %scan3A_121, %scan3A_229 = %scan3A_122) -> (i32, i32, i32, i32, i32, i32, i32, i32)  : i32 {
        %eq3A_230 = arith.constant 0 : i32
        %eq3A_231 = arith.cmpi eq, %scan3A_221, %eq3A_230 : i32
        %eq3A_232 = arith.constant 127 : i32
        %eq3A_233 = arith.cmpi eq, %scan3A_221, %eq3A_232 : i32
        %add3A_234 = arith.constant 0 : i32
        %add3A_235 = arith.addi %scan3A_228, %add3A_234 : i32
        %add3A_236 = arith.addi %scan3A_229, %mul3A_6 : i32
        %sub3A_237 = arith.constant 1 : i32
        %sub3A_238 = arith.subi %scan3A_229, %sub3A_237 : i32
        %select_n3A_239 = arith.constant true
        %select_n3A_240 = arith.select %select_n3A_239, %sub3A_238, %scan3A_229 : i32
        %eq3A_241 = arith.constant -1 : i32
        %eq3A_242 = arith.cmpi eq, %select_n3A_240, %eq3A_241 : i32
        %select_n3A_243 = arith.constant 31 : i32
        %select_n3A_244 = arith.select %eq3A_242, %select_n3A_243, %select_n3A_240 : i32
        %sub3A_245 = arith.constant 1 : i32
        %sub3A_246 = arith.subi %scan3A_228, %sub3A_245 : i32
        %select_n3A_247 = arith.select %eq3A_242, %sub3A_246, %scan3A_228 : i32
        %eq3A_248 = arith.constant -1 : i32
        %eq3A_249 = arith.cmpi eq, %select_n3A_247, %eq3A_248 : i32
        %select_n3A_250 = arith.constant 3 : i32
        %select_n3A_251 = arith.select %eq3A_249, %select_n3A_250, %select_n3A_247 : i32
        %add3A_252 = arith.constant 0 : i32
        %add3A_253 = arith.addi %select_n3A_251, %add3A_252 : i32
        %add3A_254 = arith.addi %select_n3A_244, %mul3A_6 : i32
        %add3A_255 = arith.constant 1 : i32
        %add3A_256 = arith.addi %scan3A_229, %add3A_255 : i32
        %select_n3A_257 = arith.constant true
        %select_n3A_258 = arith.select %select_n3A_257, %add3A_256, %scan3A_229 : i32
        %eq3A_259 = arith.constant 32 : i32
        %eq3A_260 = arith.cmpi eq, %select_n3A_258, %eq3A_259 : i32
        %select_n3A_261 = arith.constant 0 : i32
        %select_n3A_262 = arith.select %eq3A_260, %select_n3A_261, %select_n3A_258 : i32
        %add3A_263 = arith.constant 1 : i32
        %add3A_264 = arith.addi %scan3A_228, %add3A_263 : i32
        %select_n3A_265 = arith.select %eq3A_260, %add3A_264, %scan3A_228 : i32
        %eq3A_266 = arith.constant 4 : i32
        %eq3A_267 = arith.cmpi eq, %select_n3A_265, %eq3A_266 : i32
        %select_n3A_268 = arith.constant 0 : i32
        %select_n3A_269 = arith.select %eq3A_267, %select_n3A_268, %select_n3A_265 : i32
        %add3A_270 = arith.constant 0 : i32
        %add3A_271 = arith.addi %select_n3A_269, %add3A_270 : i32
        %add3A_272 = arith.addi %select_n3A_262, %mul3A_6 : i32
        %add3A_273 = arith.constant 1 : i32
        %add3A_274 = arith.addi %select_n3A_262, %add3A_273 : i32
        %select_n3A_275 = arith.constant true
        %select_n3A_276 = arith.select %select_n3A_275, %add3A_274, %select_n3A_262 : i32
        %eq3A_277 = arith.constant 32 : i32
        %eq3A_278 = arith.cmpi eq, %select_n3A_276, %eq3A_277 : i32
        %select_n3A_279 = arith.constant 0 : i32
        %select_n3A_280 = arith.select %eq3A_278, %select_n3A_279, %select_n3A_276 : i32
        %add3A_281 = arith.constant 1 : i32
        %add3A_282 = arith.addi %select_n3A_269, %add3A_281 : i32
        %select_n3A_283 = arith.select %eq3A_278, %add3A_282, %select_n3A_269 : i32
        %eq3A_284 = arith.constant 4 : i32
        %eq3A_285 = arith.cmpi eq, %select_n3A_283, %eq3A_284 : i32
        %select_n3A_286 = arith.constant 0 : i32
        %select_n3A_287 = arith.select %eq3A_285, %select_n3A_286, %select_n3A_283 : i32
        %add3A_288 = arith.constant 0 : i32
        %add3A_289 = arith.addi %select_n3A_287, %add3A_288 : i32
        %add3A_290 = arith.addi %select_n3A_280, %mul3A_6 : i32
        %ne3A = arith.cmpi ne, %add3A_235, %add3A_271 : i32
        %ne3A_291 = arith.cmpi ne, %add3A_236, %add3A_272 : i32
        %or3A = arith.constant false
        %or3A_292 = arith.ori %or3A, %ne3A : i1
        %or3A_293 = arith.ori %or3A_292, %ne3A_291 : i1
        %or3A_294 = arith.constant false
        %or3A_295 = arith.ori %or3A_293, %or3A_294 : i1
        %ge3A = arith.constant 127 : i32
        %ge3A_296 = arith.cmpi sge, %scan3A_221, %ge3A : i32
        %not3A = arith.constant true
        %not3A_297 = arith.xori %ge3A_296, %not3A : i1
        %and3A = arith.andi %or3A_295, %not3A_297 : i1
        %convert_element_type3A = arith.extui %and3A : i1 to i32
        %cond3A = arith.constant 0 : i32
        %cond3A_298 = arith.cmpi ne, %convert_element_type3A, %cond3A : i32
        scf.if %cond3A_298 {
          "tpu.trace_start"() <{level = 10 : i32, message = "ep_copy_in"}> : () -> ()
          %rem3A_499 = arith.constant 2 : i32
          %rem3A_500 = arith.remui %scan3A_222, %rem3A_499 : i32
          %mul3A_501 = arith.constant 1 : i32
          %mul3A_502 = arith.muli %mul3A_501, %add3A_271 : i32
          %mul3A_503 = arith.constant 8 : i32
          %mul3A_504 = arith.muli %mul3A_503, %add3A_272 : i32
          %dma_start3A_505 = arith.constant 0 : i32
          %dma_start3A_506 = arith.constant 0 : i32
          %dma_start3A_507 = arith.constant 0 : i32
          %dma_start3A_508 = tpu.memref_slice %run_scoped3A[%rem3A_500, %dma_start3A_505, %dma_start3A_506, %dma_start3A_507] : memref<2x1x8x2048xf32, #tpu.memory_space<vmem>> -> memref<1x1x8x2048xf32, #tpu.memory_space<vmem>>
          %dma_start3A_509 = tpu.memref_squeeze %dma_start3A_508 : memref<1x1x8x2048xf32, #tpu.memory_space<vmem>> -> memref<1x8x2048xf32, #tpu.memory_space<vmem>>
          %dma_start3A_510 = arith.constant 0 : i32
          %dma_start3A_511 = tpu.memref_slice %arg2[%mul3A_502, %mul3A_504, %dma_start3A_510] : memref<4x8192x2048xf32, #tpu.memory_space<hbm>> -> memref<1x8x2048xf32, #tpu.memory_space<hbm>>
          %dma_start3A_512 = tpu.memref_slice %run_scoped3A_7[%rem3A_500] : memref<2x!tpu.dma_semaphore, #tpu.memory_space<semaphore_mem>> -> memref<1x!tpu.dma_semaphore, #tpu.memory_space<semaphore_mem>>
          %dma_start3A_513 = tpu.memref_squeeze %dma_start3A_512 : memref<1x!tpu.dma_semaphore, #tpu.memory_space<semaphore_mem>> -> memref<!tpu.dma_semaphore, #tpu.memory_space<semaphore_mem>>
          %dma_start3A_514 = arith.constant 0 : i32
          %dma_start3A_515 = arith.constant 0 : i32
          %dma_start3A_516 = arith.constant 0 : i32
          %dma_start3A_517 = tpu.memref_slice %run_scoped3A[%rem3A_500, %dma_start3A_514, %dma_start3A_515, %dma_start3A_516] : memref<2x1x8x2048xf32, #tpu.memory_space<vmem>> -> memref<1x1x8x2048xf32, #tpu.memory_space<vmem>>
          %dma_start3A_518 = tpu.memref_squeeze %dma_start3A_517 : memref<1x1x8x2048xf32, #tpu.memory_space<vmem>> -> memref<1x8x2048xf32, #tpu.memory_space<vmem>>
          %dma_start3A_519 = arith.constant 0 : i32
          %dma_start3A_520 = tpu.memref_slice %arg2[%mul3A_502, %mul3A_504, %dma_start3A_519] : memref<4x8192x2048xf32, #tpu.memory_space<hbm>> -> memref<1x8x2048xf32, #tpu.memory_space<hbm>>
          tpu.enqueue_dma source(%dma_start3A_520 : memref<1x8x2048xf32, #tpu.memory_space<hbm>>) target(%dma_start3A_518 : memref<1x8x2048xf32, #tpu.memory_space<vmem>>) target_semaphore(%dma_start3A_513 : memref<!tpu.dma_semaphore, #tpu.memory_space<semaphore_mem>>)
          "tpu.trace_stop"() : () -> ()
        } else {
        }
        %and3A_299 = arith.constant true
        %and3A_300 = arith.andi %and3A, %and3A_299 : i1
        %add3A_301 = arith.constant 1 : i32
        %add3A_302 = arith.addi %scan3A_222, %add3A_301 : i32
        %select_n3A_303 = arith.select %and3A_300, %add3A_302, %scan3A_222 : i32
        %ne3A_304 = arith.cmpi ne, %add3A_236, %add3A_272 : i32
        %or3A_305 = arith.constant false
        %or3A_306 = arith.ori %or3A_305, %ne3A_304 : i1
        %or3A_307 = arith.constant false
        %or3A_308 = arith.ori %or3A_306, %or3A_307 : i1
        %ge3A_309 = arith.constant 127 : i32
        %ge3A_310 = arith.cmpi sge, %scan3A_221, %ge3A_309 : i32
        %not3A_311 = arith.constant true
        %not3A_312 = arith.xori %ge3A_310, %not3A_311 : i1
        %and3A_313 = arith.andi %or3A_308, %not3A_312 : i1
        %convert_element_type3A_314 = arith.extui %and3A_313 : i1 to i32
        %cond3A_315 = arith.constant 0 : i32
        %cond3A_316 = arith.cmpi ne, %convert_element_type3A_314, %cond3A_315 : i32
        scf.if %cond3A_316 {
          "tpu.trace_start"() <{level = 10 : i32, message = "ep_copy_in"}> : () -> ()
          %rem3A_499 = arith.constant 2 : i32
          %rem3A_500 = arith.remui %scan3A_224, %rem3A_499 : i32
          %mul3A_501 = arith.constant 8 : i32
          %mul3A_502 = arith.muli %mul3A_501, %add3A_272 : i32
          %dma_start3A_503 = arith.constant 0 : i32
          %dma_start3A_504 = arith.constant 0 : i32
          %dma_start3A_505 = tpu.memref_slice %run_scoped3A_8[%rem3A_500, %dma_start3A_503, %dma_start3A_504] : memref<2x8x2048xf32, #tpu.memory_space<vmem>> -> memref<1x8x2048xf32, #tpu.memory_space<vmem>>
          %dma_start3A_506 = tpu.memref_squeeze %dma_start3A_505 : memref<1x8x2048xf32, #tpu.memory_space<vmem>> -> memref<8x2048xf32, #tpu.memory_space<vmem>>
          %dma_start3A_507 = arith.constant 0 : i32
          %dma_start3A_508 = tpu.memref_slice %arg3[%mul3A_502, %dma_start3A_507] : memref<8192x2048xf32, #tpu.memory_space<hbm>> -> memref<8x2048xf32, #tpu.memory_space<hbm>>
          %dma_start3A_509 = tpu.memref_slice %run_scoped3A_9[%rem3A_500] : memref<2x!tpu.dma_semaphore, #tpu.memory_space<semaphore_mem>> -> memref<1x!tpu.dma_semaphore, #tpu.memory_space<semaphore_mem>>
          %dma_start3A_510 = tpu.memref_squeeze %dma_start3A_509 : memref<1x!tpu.dma_semaphore, #tpu.memory_space<semaphore_mem>> -> memref<!tpu.dma_semaphore, #tpu.memory_space<semaphore_mem>>
          %dma_start3A_511 = arith.constant 0 : i32
          %dma_start3A_512 = arith.constant 0 : i32
          %dma_start3A_513 = tpu.memref_slice %run_scoped3A_8[%rem3A_500, %dma_start3A_511, %dma_start3A_512] : memref<2x8x2048xf32, #tpu.memory_space<vmem>> -> memref<1x8x2048xf32, #tpu.memory_space<vmem>>
          %dma_start3A_514 = tpu.memref_squeeze %dma_start3A_513 : memref<1x8x2048xf32, #tpu.memory_space<vmem>> -> memref<8x2048xf32, #tpu.memory_space<vmem>>
          %dma_start3A_515 = arith.constant 0 : i32
          %dma_start3A_516 = tpu.memref_slice %arg3[%mul3A_502, %dma_start3A_515] : memref<8192x2048xf32, #tpu.memory_space<hbm>> -> memref<8x2048xf32, #tpu.memory_space<hbm>>
          tpu.enqueue_dma source(%dma_start3A_516 : memref<8x2048xf32, #tpu.memory_space<hbm>>) target(%dma_start3A_514 : memref<8x2048xf32, #tpu.memory_space<vmem>>) target_semaphore(%dma_start3A_510 : memref<!tpu.dma_semaphore, #tpu.memory_space<semaphore_mem>>)
          "tpu.trace_stop"() : () -> ()
        } else {
        }
        %and3A_317 = arith.constant true
        %and3A_318 = arith.andi %and3A_313, %and3A_317 : i1
        %add3A_319 = arith.constant 1 : i32
        %add3A_320 = arith.addi %scan3A_224, %add3A_319 : i32
        %select_n3A_321 = arith.select %and3A_318, %add3A_320, %scan3A_224 : i32
        %ne3A_322 = arith.cmpi ne, %add3A_235, %add3A_271 : i32
        %ne3A_323 = arith.cmpi ne, %add3A_236, %add3A_272 : i32
        %or3A_324 = arith.constant false
        %or3A_325 = arith.ori %or3A_324, %ne3A_322 : i1
        %or3A_326 = arith.ori %or3A_325, %ne3A_323 : i1
        %or3A_327 = arith.constant false
        %or3A_328 = arith.ori %or3A_326, %or3A_327 : i1
        %ge3A_329 = arith.constant 127 : i32
        %ge3A_330 = arith.cmpi sge, %scan3A_221, %ge3A_329 : i32
        %not3A_331 = arith.constant true
        %not3A_332 = arith.xori %ge3A_330, %not3A_331 : i1
        %and3A_333 = arith.andi %or3A_328, %not3A_332 : i1
        %ne3A_334 = arith.cmpi ne, %add3A_235, %add3A_253 : i32
        %ne3A_335 = arith.cmpi ne, %add3A_236, %add3A_254 : i32
        %or3A_336 = arith.constant false
        %or3A_337 = arith.ori %or3A_336, %ne3A_334 : i1
        %or3A_338 = arith.ori %or3A_337, %ne3A_335 : i1
        %or3A_339 = arith.constant false
        %or3A_340 = arith.ori %or3A_338, %or3A_339 : i1
        %or3A_341 = arith.ori %or3A_340, %eq3A_231 : i1
        %convert_element_type3A_342 = arith.extui %or3A_341 : i1 to i32
        %cond3A_343 = arith.constant 0 : i32
        %cond3A_344 = arith.cmpi ne, %convert_element_type3A_342, %cond3A_343 : i32
        scf.if %cond3A_344 {
          "tpu.trace_start"() <{level = 10 : i32, message = "ep_wait_in"}> : () -> ()
          %mul3A_499 = arith.constant 1 : i32
          %mul3A_500 = arith.muli %mul3A_499, %add3A_235 : i32
          %mul3A_501 = arith.constant 8 : i32
          %mul3A_502 = arith.muli %mul3A_501, %add3A_236 : i32
          %rem3A_503 = arith.constant 2 : i32
          %rem3A_504 = arith.remui %scan3A_223, %rem3A_503 : i32
          %dma_wait3A_505 = arith.constant 0 : i32
          %dma_wait3A_506 = arith.constant 0 : i32
          %dma_wait3A_507 = arith.constant 0 : i32
          %dma_wait3A_508 = tpu.memref_slice %run_scoped3A[%rem3A_504, %dma_wait3A_505, %dma_wait3A_506, %dma_wait3A_507] : memref<2x1x8x2048xf32, #tpu.memory_space<vmem>> -> memref<1x1x8x2048xf32, #tpu.memory_space<vmem>>
          %dma_wait3A_509 = tpu.memref_squeeze %dma_wait3A_508 : memref<1x1x8x2048xf32, #tpu.memory_space<vmem>> -> memref<1x8x2048xf32, #tpu.memory_space<vmem>>
          %dma_wait3A_510 = arith.constant 0 : i32
          %dma_wait3A_511 = tpu.memref_slice %arg2[%mul3A_500, %mul3A_502, %dma_wait3A_510] : memref<4x8192x2048xf32, #tpu.memory_space<hbm>> -> memref<1x8x2048xf32, #tpu.memory_space<hbm>>
          %dma_wait3A_512 = tpu.memref_slice %run_scoped3A_7[%rem3A_504] : memref<2x!tpu.dma_semaphore, #tpu.memory_space<semaphore_mem>> -> memref<1x!tpu.dma_semaphore, #tpu.memory_space<semaphore_mem>>
          %dma_wait3A_513 = tpu.memref_squeeze %dma_wait3A_512 : memref<1x!tpu.dma_semaphore, #tpu.memory_space<semaphore_mem>> -> memref<!tpu.dma_semaphore, #tpu.memory_space<semaphore_mem>>
          %dma_wait3A_514 = arith.constant 0 : i32
          %dma_wait3A_515 = arith.constant 0 : i32
          %dma_wait3A_516 = arith.constant 0 : i32
          %dma_wait3A_517 = tpu.memref_slice %run_scoped3A[%rem3A_504, %dma_wait3A_514, %dma_wait3A_515, %dma_wait3A_516] : memref<2x1x8x2048xf32, #tpu.memory_space<vmem>> -> memref<1x1x8x2048xf32, #tpu.memory_space<vmem>>
          %dma_wait3A_518 = tpu.memref_squeeze %dma_wait3A_517 : memref<1x1x8x2048xf32, #tpu.memory_space<vmem>> -> memref<1x8x2048xf32, #tpu.memory_space<vmem>>
          %dma_wait3A_519 = arith.constant 0 : i32
          %dma_wait3A_520 = tpu.memref_slice %arg2[%mul3A_500, %mul3A_502, %dma_wait3A_519] : memref<4x8192x2048xf32, #tpu.memory_space<hbm>> -> memref<1x8x2048xf32, #tpu.memory_space<hbm>>
          tpu.wait_dma2 semaphore(%dma_wait3A_513 : memref<!tpu.dma_semaphore, #tpu.memory_space<semaphore_mem>>) src(%dma_wait3A_520 : memref<1x8x2048xf32, #tpu.memory_space<hbm>>) dst(%dma_wait3A_518 : memref<1x8x2048xf32, #tpu.memory_space<vmem>>)
          "tpu.trace_stop"() : () -> ()
        } else {
        }
        %ne3A_345 = arith.cmpi ne, %add3A_236, %add3A_254 : i32
        %or3A_346 = arith.constant false
        %or3A_347 = arith.ori %or3A_346, %ne3A_345 : i1
        %or3A_348 = arith.constant false
        %or3A_349 = arith.ori %or3A_347, %or3A_348 : i1
        %or3A_350 = arith.ori %or3A_349, %eq3A_231 : i1
        %convert_element_type3A_351 = arith.extui %or3A_350 : i1 to i32
        %cond3A_352 = arith.constant 0 : i32
        %cond3A_353 = arith.cmpi ne, %convert_element_type3A_351, %cond3A_352 : i32
        scf.if %cond3A_353 {
          "tpu.trace_start"() <{level = 10 : i32, message = "ep_wait_in"}> : () -> ()
          %mul3A_499 = arith.constant 8 : i32
          %mul3A_500 = arith.muli %mul3A_499, %add3A_236 : i32
          %rem3A_501 = arith.constant 2 : i32
          %rem3A_502 = arith.remui %scan3A_225, %rem3A_501 : i32
          %dma_wait3A_503 = arith.constant 0 : i32
          %dma_wait3A_504 = arith.constant 0 : i32
          %dma_wait3A_505 = tpu.memref_slice %run_scoped3A_8[%rem3A_502, %dma_wait3A_503, %dma_wait3A_504] : memref<2x8x2048xf32, #tpu.memory_space<vmem>> -> memref<1x8x2048xf32, #tpu.memory_space<vmem>>
          %dma_wait3A_506 = tpu.memref_squeeze %dma_wait3A_505 : memref<1x8x2048xf32, #tpu.memory_space<vmem>> -> memref<8x2048xf32, #tpu.memory_space<vmem>>
          %dma_wait3A_507 = arith.constant 0 : i32
          %dma_wait3A_508 = tpu.memref_slice %arg3[%mul3A_500, %dma_wait3A_507] : memref<8192x2048xf32, #tpu.memory_space<hbm>> -> memref<8x2048xf32, #tpu.memory_space<hbm>>
          %dma_wait3A_509 = tpu.memref_slice %run_scoped3A_9[%rem3A_502] : memref<2x!tpu.dma_semaphore, #tpu.memory_space<semaphore_mem>> -> memref<1x!tpu.dma_semaphore, #tpu.memory_space<semaphore_mem>>
          %dma_wait3A_510 = tpu.memref_squeeze %dma_wait3A_509 : memref<1x!tpu.dma_semaphore, #tpu.memory_space<semaphore_mem>> -> memref<!tpu.dma_semaphore, #tpu.memory_space<semaphore_mem>>
          %dma_wait3A_511 = arith.constant 0 : i32
          %dma_wait3A_512 = arith.constant 0 : i32
          %dma_wait3A_513 = tpu.memref_slice %run_scoped3A_8[%rem3A_502, %dma_wait3A_511, %dma_wait3A_512] : memref<2x8x2048xf32, #tpu.memory_space<vmem>> -> memref<1x8x2048xf32, #tpu.memory_space<vmem>>
          %dma_wait3A_514 = tpu.memref_squeeze %dma_wait3A_513 : memref<1x8x2048xf32, #tpu.memory_space<vmem>> -> memref<8x2048xf32, #tpu.memory_space<vmem>>
          %dma_wait3A_515 = arith.constant 0 : i32
          %dma_wait3A_516 = tpu.memref_slice %arg3[%mul3A_500, %dma_wait3A_515] : memref<8192x2048xf32, #tpu.memory_space<hbm>> -> memref<8x2048xf32, #tpu.memory_space<hbm>>
          tpu.wait_dma2 semaphore(%dma_wait3A_510 : memref<!tpu.dma_semaphore, #tpu.memory_space<semaphore_mem>>) src(%dma_wait3A_516 : memref<8x2048xf32, #tpu.memory_space<hbm>>) dst(%dma_wait3A_514 : memref<8x2048xf32, #tpu.memory_space<vmem>>)
          "tpu.trace_stop"() : () -> ()
        } else {
        }
        %ne3A_354 = arith.cmpi ne, %add3A_235, %add3A_253 : i32
        %ne3A_355 = arith.cmpi ne, %add3A_236, %add3A_254 : i32
        %or3A_356 = arith.constant false
        %or3A_357 = arith.ori %or3A_356, %ne3A_354 : i1
        %or3A_358 = arith.ori %or3A_357, %ne3A_355 : i1
        %or3A_359 = arith.constant false
        %or3A_360 = arith.ori %or3A_358, %or3A_359 : i1
        %or3A_361 = arith.ori %or3A_360, %eq3A_231 : i1
        %convert_element_type3A_362 = arith.extui %or3A_361 : i1 to i32
        %cond3A_363 = arith.constant 0 : i32
        %cond3A_364 = arith.cmpi ne, %convert_element_type3A_362, %cond3A_363 : i32
        scf.if %cond3A_364 {
        } else {
        }
        %rem3A_365 = arith.constant 2 : i32
        %rem3A_366 = arith.remui %scan3A_223, %rem3A_365 : i32
        %rem3A_367 = arith.constant 2 : i32
        %rem3A_368 = arith.remui %scan3A_225, %rem3A_367 : i32
        %rem3A_369 = arith.constant 2 : i32
        %rem3A_370 = arith.remui %scan3A_226, %rem3A_369 : i32
        "tpu.trace_start"() <{level = 10 : i32, message = "ep_run_kernel"}> : () -> ()
        %scan3A_371 = arith.constant 0 : i32
        %scan3A_372 = arith.constant 0 : i32
        %scan3A_373 = arith.constant 0 : i32
        %scan3A_374 = arith.constant 8 : i32
        %scan3A_375 = arith.addi %scan3A_373, %scan3A_374 : i32
        %scan3A_376 = arith.constant 1 : i32
        scf.for %scan3A_499 = %scan3A_373 to %scan3A_375 step %scan3A_376  : i32 {
          %mul3A_500 = arith.constant 1 : i32
          %mul3A_501 = arith.muli %scan3A_499, %mul3A_500 : i32
          %add3A_502 = arith.constant 0 : i32
          %add3A_503 = arith.addi %add3A_502, %mul3A_501 : i32
          %scan3A_504 = arith.constant 0 : i32
          %scan3A_505 = arith.constant 128 : i32
          %scan3A_506 = arith.addi %scan3A_504, %scan3A_505 : i32
          %scan3A_507 = arith.constant 1 : i32
          scf.for %scan3A_509 = %scan3A_504 to %scan3A_506 step %scan3A_507  : i32 {
            %mul3A_510 = arith.constant 16 : i32
            %mul3A_511 = arith.muli %scan3A_509, %mul3A_510 : i32
            %add3A_512 = arith.constant 0 : i32
            %add3A_513 = arith.addi %add3A_512, %mul3A_511 : i32
            %get3A = arith.constant 0 : i32
            %get3A_514 = arith.constant 0 : i32
            %get3A_515 = arith.constant 0 : i32
            %get3A_516 = tpu.memref_slice %run_scoped3A[%rem3A_366, %get3A, %get3A_514, %get3A_515] : memref<2x1x8x2048xf32, #tpu.memory_space<vmem>> -> memref<1x1x8x2048xf32, #tpu.memory_space<vmem>>
            %get3A_517 = tpu.memref_squeeze %get3A_516 : memref<1x1x8x2048xf32, #tpu.memory_space<vmem>> -> memref<1x8x2048xf32, #tpu.memory_space<vmem>>
            %get3A_518 = arith.constant 0 : i32
            %get3A_519 = arith.constant 0 : i32
            %get3A_520 = tpu.memref_slice %get3A_517[%scan3A_371, %get3A_518, %get3A_519] : memref<1x8x2048xf32, #tpu.memory_space<vmem>> -> memref<1x8x2048xf32, #tpu.memory_space<vmem>>
            %get3A_521 = tpu.memref_squeeze %get3A_520 : memref<1x8x2048xf32, #tpu.memory_space<vmem>> -> memref<8x2048xf32, #tpu.memory_space<vmem>>
            %get3A_522 = arith.index_cast %add3A_503 : i32 to index
            %get3A_523 = arith.index_cast %add3A_513 : i32 to index
            %get3A_524 = tpu.vector_load %get3A_521[%get3A_522, %get3A_523] {strides = array<i32>} : memref<8x2048xf32, #tpu.memory_space<vmem>>, vector<1x16xf32>,
            %get3A_525 = vector.shape_cast %get3A_524 : vector<1x16xf32> to vector<1x16xf32>
            %get3A_526 = arith.constant 0 : i32
            %get3A_527 = arith.constant 0 : i32
            %get3A_528 = tpu.memref_slice %run_scoped3A_8[%rem3A_368, %get3A_526, %get3A_527] : memref<2x8x2048xf32, #tpu.memory_space<vmem>> -> memref<1x8x2048xf32, #tpu.memory_space<vmem>>
            %get3A_529 = tpu.memref_squeeze %get3A_528 : memref<1x8x2048xf32, #tpu.memory_space<vmem>> -> memref<8x2048xf32, #tpu.memory_space<vmem>>
            %get3A_530 = arith.index_cast %add3A_503 : i32 to index
            %get3A_531 = arith.index_cast %add3A_513 : i32 to index
            %get3A_532 = tpu.vector_load %get3A_529[%get3A_530, %get3A_531] {strides = array<i32>} : memref<8x2048xf32, #tpu.memory_space<vmem>>, vector<1x16xf32>,
            %get3A_533 = vector.shape_cast %get3A_532 : vector<1x16xf32> to vector<1x16xf32>
            %add3A_534 = arith.addf %get3A_525, %get3A_533 : vector<1x16xf32>
            %swap3A = arith.constant 0 : i32
            %swap3A_535 = arith.constant 0 : i32
            %swap3A_536 = arith.constant 0 : i32
            %swap3A_537 = tpu.memref_slice %run_scoped3A_10[%rem3A_370, %swap3A, %swap3A_535, %swap3A_536] : memref<2x1x8x2048xf32, #tpu.memory_space<vmem>> -> memref<1x1x8x2048xf32, #tpu.memory_space<vmem>>
            %swap3A_538 = tpu.memref_squeeze %swap3A_537 : memref<1x1x8x2048xf32, #tpu.memory_space<vmem>> -> memref<1x8x2048xf32, #tpu.memory_space<vmem>>
            %swap3A_539 = arith.constant 0 : i32
            %swap3A_540 = arith.constant 0 : i32
            %swap3A_541 = tpu.memref_slice %swap3A_538[%scan3A_372, %swap3A_539, %swap3A_540] : memref<1x8x2048xf32, #tpu.memory_space<vmem>> -> memref<1x8x2048xf32, #tpu.memory_space<vmem>>
            %swap3A_542 = tpu.memref_squeeze %swap3A_541 : memref<1x8x2048xf32, #tpu.memory_space<vmem>> -> memref<8x2048xf32, #tpu.memory_space<vmem>>
            %swap3A_543 = arith.index_cast %add3A_503 : i32 to index
            %swap3A_544 = arith.index_cast %add3A_513 : i32 to index
            %swap3A_545 = tpu.vector_load %swap3A_542[%swap3A_543, %swap3A_544] {strides = array<i32>} : memref<8x2048xf32, #tpu.memory_space<vmem>>, vector<1x16xf32>,
            %swap3A_546 = vector.shape_cast %swap3A_545 : vector<1x16xf32> to vector<1x16xf32>
            %swap3A_547 = vector.shape_cast %add3A_534 : vector<1x16xf32> to vector<1x16xf32>
            tpu.vector_store %swap3A_542[%swap3A_543, %swap3A_544], %swap3A_547 {strides = array<i32>} : memref<8x2048xf32, #tpu.memory_space<vmem>>, vector<1x16xf32>,
          }
          %scan3A_508 = arith.constant 128 : i32
        }
        %scan3A_377 = arith.constant 8 : i32
        "tpu.trace_stop"() : () -> ()
        %ne3A_378 = arith.cmpi ne, %add3A_235, %add3A_271 : i32
        %ne3A_379 = arith.cmpi ne, %add3A_236, %add3A_272 : i32
        %or3A_380 = arith.constant false
        %or3A_381 = arith.ori %or3A_380, %ne3A_378 : i1
        %or3A_382 = arith.ori %or3A_381, %ne3A_379 : i1
        %or3A_383 = arith.constant false
        %or3A_384 = arith.ori %or3A_382, %or3A_383 : i1
        %or3A_385 = arith.ori %or3A_384, %eq3A_233 : i1
        %convert_element_type3A_386 = arith.extui %or3A_385 : i1 to i32
        %cond3A_387 = arith.constant 0 : i32
        %cond3A_388 = arith.cmpi ne, %convert_element_type3A_386, %cond3A_387 : i32
        scf.if %cond3A_388 {
        } else {
        }
        %and3A_389 = arith.constant false
        %and3A_390 = arith.andi %or3A_385, %and3A_389 : i1
        %ne3A_391 = arith.cmpi ne, %add3A_236, %add3A_272 : i32
        %or3A_392 = arith.constant false
        %or3A_393 = arith.ori %or3A_392, %ne3A_391 : i1
        %or3A_394 = arith.constant false
        %or3A_395 = arith.ori %or3A_393, %or3A_394 : i1
        %or3A_396 = arith.ori %or3A_395, %eq3A_233 : i1
        %convert_element_type3A_397 = arith.extui %or3A_396 : i1 to i32
        %cond3A_398 = arith.constant 0 : i32
        %cond3A_399 = arith.cmpi ne, %convert_element_type3A_397, %cond3A_398 : i32
        scf.if %cond3A_399 {
        } else {
        }
        %and3A_400 = arith.constant false
        %and3A_401 = arith.andi %or3A_396, %and3A_400 : i1
        %ne3A_402 = arith.cmpi ne, %add3A_235, %add3A_271 : i32
        %ne3A_403 = arith.cmpi ne, %add3A_236, %add3A_272 : i32
        %or3A_404 = arith.constant false
        %or3A_405 = arith.ori %or3A_404, %ne3A_402 : i1
        %or3A_406 = arith.ori %or3A_405, %ne3A_403 : i1
        %or3A_407 = arith.constant false
        %or3A_408 = arith.ori %or3A_406, %or3A_407 : i1
        %or3A_409 = arith.ori %or3A_408, %eq3A_233 : i1
        %convert_element_type3A_410 = arith.extui %or3A_409 : i1 to i32
        %cond3A_411 = arith.constant 0 : i32
        %cond3A_412 = arith.cmpi ne, %convert_element_type3A_410, %cond3A_411 : i32
        scf.if %cond3A_412 {
          "tpu.trace_start"() <{level = 10 : i32, message = "ep_copy_out"}> : () -> ()
          %rem3A_499 = arith.constant 2 : i32
          %rem3A_500 = arith.remui %scan3A_226, %rem3A_499 : i32
          %mul3A_501 = arith.constant 1 : i32
          %mul3A_502 = arith.muli %mul3A_501, %add3A_235 : i32
          %mul3A_503 = arith.constant 8 : i32
          %mul3A_504 = arith.muli %mul3A_503, %add3A_236 : i32
          %dma_start3A_505 = arith.constant 0 : i32
          %dma_start3A_506 = arith.constant 0 : i32
          %dma_start3A_507 = arith.constant 0 : i32
          %dma_start3A_508 = tpu.memref_slice %run_scoped3A_10[%rem3A_500, %dma_start3A_505, %dma_start3A_506, %dma_start3A_507] : memref<2x1x8x2048xf32, #tpu.memory_space<vmem>> -> memref<1x1x8x2048xf32, #tpu.memory_space<vmem>>
          %dma_start3A_509 = tpu.memref_squeeze %dma_start3A_508 : memref<1x1x8x2048xf32, #tpu.memory_space<vmem>> -> memref<1x8x2048xf32, #tpu.memory_space<vmem>>
          %dma_start3A_510 = arith.constant 0 : i32
          %dma_start3A_511 = tpu.memref_slice %arg4[%mul3A_502, %mul3A_504, %dma_start3A_510] : memref<4x8192x2048xf32, #tpu.memory_space<hbm>> -> memref<1x8x2048xf32, #tpu.memory_space<hbm>>
          %dma_start3A_512 = tpu.memref_slice %run_scoped3A_11[%rem3A_500] : memref<2x!tpu.dma_semaphore, #tpu.memory_space<semaphore_mem>> -> memref<1x!tpu.dma_semaphore, #tpu.memory_space<semaphore_mem>>
          %dma_start3A_513 = tpu.memref_squeeze %dma_start3A_512 : memref<1x!tpu.dma_semaphore, #tpu.memory_space<semaphore_mem>> -> memref<!tpu.dma_semaphore, #tpu.memory_space<semaphore_mem>>
          %dma_start3A_514 = arith.constant 0 : i32
          %dma_start3A_515 = tpu.memref_slice %arg4[%mul3A_502, %mul3A_504, %dma_start3A_514] : memref<4x8192x2048xf32, #tpu.memory_space<hbm>> -> memref<1x8x2048xf32, #tpu.memory_space<hbm>>
          %dma_start3A_516 = arith.constant 0 : i32
          %dma_start3A_517 = arith.constant 0 : i32
          %dma_start3A_518 = arith.constant 0 : i32
          %dma_start3A_519 = tpu.memref_slice %run_scoped3A_10[%rem3A_500, %dma_start3A_516, %dma_start3A_517, %dma_start3A_518] : memref<2x1x8x2048xf32, #tpu.memory_space<vmem>> -> memref<1x1x8x2048xf32, #tpu.memory_space<vmem>>
          %dma_start3A_520 = tpu.memref_squeeze %dma_start3A_519 : memref<1x1x8x2048xf32, #tpu.memory_space<vmem>> -> memref<1x8x2048xf32, #tpu.memory_space<vmem>>
          tpu.enqueue_dma source(%dma_start3A_520 : memref<1x8x2048xf32, #tpu.memory_space<vmem>>) target(%dma_start3A_515 : memref<1x8x2048xf32, #tpu.memory_space<hbm>>) target_semaphore(%dma_start3A_513 : memref<!tpu.dma_semaphore, #tpu.memory_space<semaphore_mem>>)
          "tpu.trace_stop"() : () -> ()
        } else {
        }
        %and3A_413 = arith.constant true
        %and3A_414 = arith.andi %or3A_409, %and3A_413 : i1
        %add3A_415 = arith.constant 1 : i32
        %add3A_416 = arith.addi %scan3A_226, %add3A_415 : i32
        %select_n3A_417 = arith.select %and3A_414, %add3A_416, %scan3A_226 : i32
        %ne3A_418 = arith.cmpi ne, %add3A_235, %add3A_253 : i32
        %ne3A_419 = arith.cmpi ne, %add3A_236, %add3A_254 : i32
        %or3A_420 = arith.constant false
        %or3A_421 = arith.ori %or3A_420, %ne3A_418 : i1
        %or3A_422 = arith.ori %or3A_421, %ne3A_419 : i1
        %or3A_423 = arith.constant false
        %or3A_424 = arith.ori %or3A_422, %or3A_423 : i1
        %not3A_425 = arith.constant true
        %not3A_426 = arith.xori %eq3A_231, %not3A_425 : i1
        %and3A_427 = arith.andi %or3A_424, %not3A_426 : i1
        %convert_element_type3A_428 = arith.extui %and3A_427 : i1 to i32
        %cond3A_429 = arith.constant 0 : i32
        %cond3A_430 = arith.cmpi ne, %convert_element_type3A_428, %cond3A_429 : i32
        scf.if %cond3A_430 {
        } else {
        }
        %and3A_431 = arith.constant false
        %and3A_432 = arith.andi %and3A_427, %and3A_431 : i1
        %ne3A_433 = arith.cmpi ne, %add3A_236, %add3A_254 : i32
        %or3A_434 = arith.constant false
        %or3A_435 = arith.ori %or3A_434, %ne3A_433 : i1
        %or3A_436 = arith.constant false
        %or3A_437 = arith.ori %or3A_435, %or3A_436 : i1
        %not3A_438 = arith.constant true
        %not3A_439 = arith.xori %eq3A_231, %not3A_438 : i1
        %and3A_440 = arith.andi %or3A_437, %not3A_439 : i1
        %convert_element_type3A_441 = arith.extui %and3A_440 : i1 to i32
        %cond3A_442 = arith.constant 0 : i32
        %cond3A_443 = arith.cmpi ne, %convert_element_type3A_441, %cond3A_442 : i32
        scf.if %cond3A_443 {
        } else {
        }
        %and3A_444 = arith.constant false
        %and3A_445 = arith.andi %and3A_440, %and3A_444 : i1
        %ne3A_446 = arith.cmpi ne, %add3A_235, %add3A_253 : i32
        %ne3A_447 = arith.cmpi ne, %add3A_236, %add3A_254 : i32
        %or3A_448 = arith.constant false
        %or3A_449 = arith.ori %or3A_448, %ne3A_446 : i1
        %or3A_450 = arith.ori %or3A_449, %ne3A_447 : i1
        %or3A_451 = arith.constant false
        %or3A_452 = arith.ori %or3A_450, %or3A_451 : i1
        %not3A_453 = arith.constant true
        %not3A_454 = arith.xori %eq3A_231, %not3A_453 : i1
        %and3A_455 = arith.andi %or3A_452, %not3A_454 : i1
        %convert_element_type3A_456 = arith.extui %and3A_455 : i1 to i32
        %cond3A_457 = arith.constant 0 : i32
        %cond3A_458 = arith.cmpi ne, %convert_element_type3A_456, %cond3A_457 : i32
        scf.if %cond3A_458 {
          "tpu.trace_start"() <{level = 10 : i32, message = "ep_wait_out"}> : () -> ()
          %rem3A_499 = arith.constant 2 : i32
          %rem3A_500 = arith.remui %scan3A_227, %rem3A_499 : i32
          %mul3A_501 = arith.constant 1 : i32
          %mul3A_502 = arith.muli %mul3A_501, %add3A_253 : i32
          %mul3A_503 = arith.constant 8 : i32
          %mul3A_504 = arith.muli %mul3A_503, %add3A_254 : i32
          %dma_wait3A_505 = arith.constant 0 : i32
          %dma_wait3A_506 = arith.constant 0 : i32
          %dma_wait3A_507 = arith.constant 0 : i32
          %dma_wait3A_508 = tpu.memref_slice %run_scoped3A_10[%rem3A_500, %dma_wait3A_505, %dma_wait3A_506, %dma_wait3A_507] : memref<2x1x8x2048xf32, #tpu.memory_space<vmem>> -> memref<1x1x8x2048xf32, #tpu.memory_space<vmem>>
          %dma_wait3A_509 = tpu.memref_squeeze %dma_wait3A_508 : memref<1x1x8x2048xf32, #tpu.memory_space<vmem>> -> memref<1x8x2048xf32, #tpu.memory_space<vmem>>
          %dma_wait3A_510 = arith.constant 0 : i32
          %dma_wait3A_511 = tpu.memref_slice %arg4[%mul3A_502, %mul3A_504, %dma_wait3A_510] : memref<4x8192x2048xf32, #tpu.memory_space<hbm>> -> memref<1x8x2048xf32, #tpu.memory_space<hbm>>
          %dma_wait3A_512 = tpu.memref_slice %run_scoped3A_11[%rem3A_500] : memref<2x!tpu.dma_semaphore, #tpu.memory_space<semaphore_mem>> -> memref<1x!tpu.dma_semaphore, #tpu.memory_space<semaphore_mem>>
          %dma_wait3A_513 = tpu.memref_squeeze %dma_wait3A_512 : memref<1x!tpu.dma_semaphore, #tpu.memory_space<semaphore_mem>> -> memref<!tpu.dma_semaphore, #tpu.memory_space<semaphore_mem>>
          %dma_wait3A_514 = arith.constant 0 : i32
          %dma_wait3A_515 = tpu.memref_slice %arg4[%mul3A_502, %mul3A_504, %dma_wait3A_514] : memref<4x8192x2048xf32, #tpu.memory_space<hbm>> -> memref<1x8x2048xf32, #tpu.memory_space<hbm>>
          %dma_wait3A_516 = arith.constant 0 : i32
          %dma_wait3A_517 = arith.constant 0 : i32
          %dma_wait3A_518 = arith.constant 0 : i32
          %dma_wait3A_519 = tpu.memref_slice %run_scoped3A_10[%rem3A_500, %dma_wait3A_516, %dma_wait3A_517, %dma_wait3A_518] : memref<2x1x8x2048xf32, #tpu.memory_space<vmem>> -> memref<1x1x8x2048xf32, #tpu.memory_space<vmem>>
          %dma_wait3A_520 = tpu.memref_squeeze %dma_wait3A_519 : memref<1x1x8x2048xf32, #tpu.memory_space<vmem>> -> memref<1x8x2048xf32, #tpu.memory_space<vmem>>
          tpu.wait_dma2 semaphore(%dma_wait3A_513 : memref<!tpu.dma_semaphore, #tpu.memory_space<semaphore_mem>>) src(%dma_wait3A_520 : memref<1x8x2048xf32, #tpu.memory_space<vmem>>) dst(%dma_wait3A_515 : memref<1x8x2048xf32, #tpu.memory_space<hbm>>)
          "tpu.trace_stop"() : () -> ()
        } else {
        }
        %and3A_459 = arith.constant true
        %and3A_460 = arith.andi %and3A_455, %and3A_459 : i1
        %add3A_461 = arith.constant 1 : i32
        %add3A_462 = arith.addi %scan3A_227, %add3A_461 : i32
        %select_n3A_463 = arith.select %and3A_460, %add3A_462, %scan3A_227 : i32
        %ne3A_464 = arith.cmpi ne, %add3A_235, %add3A_271 : i32
        %ne3A_465 = arith.cmpi ne, %add3A_236, %add3A_272 : i32
        %or3A_466 = arith.constant false
        %or3A_467 = arith.ori %or3A_466, %ne3A_464 : i1
        %or3A_468 = arith.ori %or3A_467, %ne3A_465 : i1
        %or3A_469 = arith.constant false
        %or3A_470 = arith.ori %or3A_468, %or3A_469 : i1
        %or3A_471 = arith.ori %or3A_470, %eq3A_233 : i1
        %add3A_472 = arith.constant 1 : i32
        %add3A_473 = arith.addi %scan3A_223, %add3A_472 : i32
        %select_n3A_474 = arith.select %or3A_471, %add3A_473, %scan3A_223 : i32
        %ne3A_475 = arith.cmpi ne, %add3A_236, %add3A_272 : i32
        %or3A_476 = arith.constant false
        %or3A_477 = arith.ori %or3A_476, %ne3A_475 : i1
        %or3A_478 = arith.constant false
        %or3A_479 = arith.ori %or3A_477, %or3A_478 : i1
        %or3A_480 = arith.ori %or3A_479, %eq3A_233 : i1
        %add3A_481 = arith.constant 1 : i32
        %add3A_482 = arith.addi %scan3A_225, %add3A_481 : i32
        %select_n3A_483 = arith.select %or3A_480, %add3A_482, %scan3A_225 : i32
        %add3A_484 = arith.constant 1 : i32
        %add3A_485 = arith.addi %scan3A_229, %add3A_484 : i32
        %select_n3A_486 = arith.constant true
        %select_n3A_487 = arith.select %select_n3A_486, %add3A_485, %scan3A_229 : i32
        %eq3A_488 = arith.constant 32 : i32
        %eq3A_489 = arith.cmpi eq, %select_n3A_487, %eq3A_488 : i32
        %select_n3A_490 = arith.constant 0 : i32
        %select_n3A_491 = arith.select %eq3A_489, %select_n3A_490, %select_n3A_487 : i32
        %add3A_492 = arith.constant 1 : i32
        %add3A_493 = arith.addi %scan3A_228, %add3A_492 : i32
        %select_n3A_494 = arith.select %eq3A_489, %add3A_493, %scan3A_228 : i32
        %eq3A_495 = arith.constant 4 : i32
        %eq3A_496 = arith.cmpi eq, %select_n3A_494, %eq3A_495 : i32
        %select_n3A_497 = arith.constant 0 : i32
        %select_n3A_498 = arith.select %eq3A_496, %select_n3A_497, %select_n3A_494 : i32
        scf.yield %select_n3A_303, %select_n3A_474, %select_n3A_321, %select_n3A_483, %select_n3A_417, %select_n3A_463, %select_n3A_498, %select_n3A_491 : i32, i32, i32, i32, i32, i32, i32, i32
      }
      %scan3A_128 = arith.constant 128 : i32
      %sub3A = arith.constant 1 : i32
      %sub3A_129 = arith.subi %scan3A_127#7, %sub3A : i32
      %select_n3A_130 = arith.constant true
      %select_n3A_131 = arith.select %select_n3A_130, %sub3A_129, %scan3A_127#7 : i32
      %eq3A_132 = arith.constant -1 : i32
      %eq3A_133 = arith.cmpi eq, %select_n3A_131, %eq3A_132 : i32
      %select_n3A_134 = arith.constant 31 : i32
      %select_n3A_135 = arith.select %eq3A_133, %select_n3A_134, %select_n3A_131 : i32
      %sub3A_136 = arith.constant 1 : i32
      %sub3A_137 = arith.subi %scan3A_127#6, %sub3A_136 : i32
      %select_n3A_138 = arith.select %eq3A_133, %sub3A_137, %scan3A_127#6 : i32
      %eq3A_139 = arith.constant -1 : i32
      %eq3A_140 = arith.cmpi eq, %select_n3A_138, %eq3A_139 : i32
      %select_n3A_141 = arith.constant 3 : i32
      %select_n3A_142 = arith.select %eq3A_140, %select_n3A_141, %select_n3A_138 : i32
      %add3A_143 = arith.constant 0 : i32
      %add3A_144 = arith.addi %select_n3A_142, %add3A_143 : i32
      %add3A_145 = arith.addi %select_n3A_135, %mul3A_6 : i32
      %sub3A_146 = arith.constant 1 : i32
      %sub3A_147 = arith.subi %select_n3A_135, %sub3A_146 : i32
      %select_n3A_148 = arith.constant true
      %select_n3A_149 = arith.select %select_n3A_148, %sub3A_147, %select_n3A_135 : i32
      %eq3A_150 = arith.constant -1 : i32
      %eq3A_151 = arith.cmpi eq, %select_n3A_149, %eq3A_150 : i32
      %select_n3A_152 = arith.constant 31 : i32
      %select_n3A_153 = arith.select %eq3A_151, %select_n3A_152, %select_n3A_149 : i32
      %sub3A_154 = arith.constant 1 : i32
      %sub3A_155 = arith.subi %select_n3A_142, %sub3A_154 : i32
      %select_n3A_156 = arith.select %eq3A_151, %sub3A_155, %select_n3A_142 : i32
      %eq3A_157 = arith.constant -1 : i32
      %eq3A_158 = arith.cmpi eq, %select_n3A_156, %eq3A_157 : i32
      %select_n3A_159 = arith.constant 3 : i32
      %select_n3A_160 = arith.select %eq3A_158, %select_n3A_159, %select_n3A_156 : i32
      %add3A_161 = arith.constant 0 : i32
      %add3A_162 = arith.addi %select_n3A_160, %add3A_161 : i32
      %add3A_163 = arith.addi %select_n3A_153, %mul3A_6 : i32
      %add3A_164 = arith.constant 1 : i32
      %add3A_165 = arith.addi %select_n3A_135, %add3A_164 : i32
      %select_n3A_166 = arith.constant true
      %select_n3A_167 = arith.select %select_n3A_166, %add3A_165, %select_n3A_135 : i32
      %eq3A_168 = arith.constant 32 : i32
      %eq3A_169 = arith.cmpi eq, %select_n3A_167, %eq3A_168 : i32
      %select_n3A_170 = arith.constant 0 : i32
      %select_n3A_171 = arith.select %eq3A_169, %select_n3A_170, %select_n3A_167 : i32
      %add3A_172 = arith.constant 1 : i32
      %add3A_173 = arith.addi %select_n3A_142, %add3A_172 : i32
      %select_n3A_174 = arith.select %eq3A_169, %add3A_173, %select_n3A_142 : i32
      %eq3A_175 = arith.constant 4 : i32
      %eq3A_176 = arith.cmpi eq, %select_n3A_174, %eq3A_175 : i32
      %select_n3A_177 = arith.constant 0 : i32
      %select_n3A_178 = arith.select %eq3A_176, %select_n3A_177, %select_n3A_174 : i32
      %add3A_179 = arith.constant 0 : i32
      %add3A_180 = arith.addi %select_n3A_178, %add3A_179 : i32
      %add3A_181 = arith.addi %select_n3A_171, %mul3A_6 : i32
      %add3A_182 = arith.constant 1 : i32
      %add3A_183 = arith.addi %select_n3A_171, %add3A_182 : i32
      %select_n3A_184 = arith.constant true
      %select_n3A_185 = arith.select %select_n3A_184, %add3A_183, %select_n3A_171 : i32
      %eq3A_186 = arith.constant 32 : i32
      %eq3A_187 = arith.cmpi eq, %select_n3A_185, %eq3A_186 : i32
      %select_n3A_188 = arith.constant 0 : i32
      %select_n3A_189 = arith.select %eq3A_187, %select_n3A_188, %select_n3A_185 : i32
      %add3A_190 = arith.constant 1 : i32
      %add3A_191 = arith.addi %select_n3A_178, %add3A_190 : i32
      %select_n3A_192 = arith.select %eq3A_187, %add3A_191, %select_n3A_178 : i32
      %eq3A_193 = arith.constant 4 : i32
      %eq3A_194 = arith.cmpi eq, %select_n3A_192, %eq3A_193 : i32
      %select_n3A_195 = arith.constant 0 : i32
      %select_n3A_196 = arith.select %eq3A_194, %select_n3A_195, %select_n3A_192 : i32
      %add3A_197 = arith.constant 0 : i32
      %add3A_198 = arith.addi %select_n3A_196, %add3A_197 : i32
      %add3A_199 = arith.addi %select_n3A_189, %mul3A_6 : i32
      "tpu.trace_start"() <{level = 10 : i32, message = "ep_finalize"}> : () -> ()
      %rem3A_200 = arith.constant 2 : i32
      %rem3A_201 = arith.remui %scan3A_127#5, %rem3A_200 : i32
      %mul3A_202 = arith.constant 1 : i32
      %mul3A_203 = arith.muli %mul3A_202, %add3A_144 : i32
      %mul3A_204 = arith.constant 8 : i32
      %mul3A_205 = arith.muli %mul3A_204, %add3A_145 : i32
      %dma_wait3A = arith.constant 0 : i32
      %dma_wait3A_206 = arith.constant 0 : i32
      %dma_wait3A_207 = arith.constant 0 : i32
      %dma_wait3A_208 = tpu.memref_slice %run_scoped3A_10[%rem3A_201, %dma_wait3A, %dma_wait3A_206, %dma_wait3A_207] : memref<2x1x8x2048xf32, #tpu.memory_space<vmem>> -> memref<1x1x8x2048xf32, #tpu.memory_space<vmem>>
      %dma_wait3A_209 = tpu.memref_squeeze %dma_wait3A_208 : memref<1x1x8x2048xf32, #tpu.memory_space<vmem>> -> memref<1x8x2048xf32, #tpu.memory_space<vmem>>
      %dma_wait3A_210 = arith.constant 0 : i32
      %dma_wait3A_211 = tpu.memref_slice %arg4[%mul3A_203, %mul3A_205, %dma_wait3A_210] : memref<4x8192x2048xf32, #tpu.memory_space<hbm>> -> memref<1x8x2048xf32, #tpu.memory_space<hbm>>
      %dma_wait3A_212 = tpu.memref_slice %run_scoped3A_11[%rem3A_201] : memref<2x!tpu.dma_semaphore, #tpu.memory_space<semaphore_mem>> -> memref<1x!tpu.dma_semaphore, #tpu.memory_space<semaphore_mem>>
      %dma_wait3A_213 = tpu.memref_squeeze %dma_wait3A_212 : memref<1x!tpu.dma_semaphore, #tpu.memory_space<semaphore_mem>> -> memref<!tpu.dma_semaphore, #tpu.memory_space<semaphore_mem>>
      %dma_wait3A_214 = arith.constant 0 : i32
      %dma_wait3A_215 = tpu.memref_slice %arg4[%mul3A_203, %mul3A_205, %dma_wait3A_214] : memref<4x8192x2048xf32, #tpu.memory_space<hbm>> -> memref<1x8x2048xf32, #tpu.memory_space<hbm>>
      %dma_wait3A_216 = arith.constant 0 : i32
      %dma_wait3A_217 = arith.constant 0 : i32
      %dma_wait3A_218 = arith.constant 0 : i32
      %dma_wait3A_219 = tpu.memref_slice %run_scoped3A_10[%rem3A_201, %dma_wait3A_216, %dma_wait3A_217, %dma_wait3A_218] : memref<2x1x8x2048xf32, #tpu.memory_space<vmem>> -> memref<1x1x8x2048xf32, #tpu.memory_space<vmem>>
      %dma_wait3A_220 = tpu.memref_squeeze %dma_wait3A_219 : memref<1x1x8x2048xf32, #tpu.memory_space<vmem>> -> memref<1x8x2048xf32, #tpu.memory_space<vmem>>
      tpu.wait_dma2 semaphore(%dma_wait3A_213 : memref<!tpu.dma_semaphore, #tpu.memory_space<semaphore_mem>>) src(%dma_wait3A_220 : memref<1x8x2048xf32, #tpu.memory_space<vmem>>) dst(%dma_wait3A_215 : memref<1x8x2048xf32, #tpu.memory_space<hbm>>)
      "tpu.trace_stop"() : () -> ()
      tpu.yield
    }) : () -> ()
    return
  }
}

</mosaic_0001>

<sc_bundles>
// kernel: kernel.3.cloned.1.call-start
scs
__scs_entry_jumppad:
0x0: {  	(pc) =	sbr.rel $0x88, $3  }
0x1: {  	(tag) =	ssettag $0x0;
	lr =	simm.s32 $0x1  }
0x2: {  	[smem:$0x3F9F] =	sst lr;
	_ =	strace $0xD0000000  }
0x3: {  	_ = 	snop  }
0x4: {  	_ = 	snop  }
0x5: {  	_ = 	snop  }
0x6: {  	_ = 	snop  }
0x7: {  	_ = 	snop  }
__scs_overlays_trampoline_lowered:
0x8: {  	[smem:$0x3FAE] =	sst s0  }
0x9: {  	[smem:$0x3FAF] =	sst s1  }
0xa: {  	[smem:$0x3FB0] =	sst s2  }
0xb: {  	[smem:$0x3FB1] =	sst s3  }
0xc: {  	[smem:$0x3FB2] =	sst s4  }
0xd: {  	[smem:$0x3FB3] =	sst s5  }
0xe: {  	[smem:$0x3FB4] =	sst s6  }
0xf: {  	[smem:$0x3FB5] =	sst s7  }
0x10: {  	[smem:$0x3FB6] =	sst s8  }
0x11: {  	[smem:$0x3FB7] =	sst s9;
	s0 =	simm.s32 @!p0 $0x0  }
0x12: {  	s1 =	sld [smem:$0x3F9D];
	s0 =	simm.s32 @p0 $0x1  }
0x13: {  	[smem:$0x3FB8] =	sst s0;
	s0 =	simm.s32 @!p1 $0x0  }
0x14: {  	s2 =	sld [smem:$0x3F9C];
	s0 =	simm.s32 @p1 $0x1  }
0x15: {  	[smem:$0x3FB9] =	sst s0;
	s0 =	simm.s32 @!p2 $0x0  }
0x16: {  	s3 =	sld [smem:$0x3FDB];
	s0 =	simm.s32 @p2 $0x1  }
0x17: {  	s4 =	simm.s32 $0x1BF5;
	[smem:$0x3FBB] =	sst s0  }
0x18: {  	s0 =	sld [smem:$0x3F9E];
	_ =	swait.ge [sflag:s4], $0x0  }
0x19: {  	s7 =	sld [smem:$0x3F9F]  }
0x1a: {  	s8 =	sadd.s32 $0xFFFFE003, lr  }
0x1b: {  	s9 =	sadd.s32 $0xFFFFFEF7, lr;
	s5 =	simm.s32 $0xFFFFFFFF;
	p2 =	slt.u32 s8, $0xFFFFF086  }
0x1c: {  	p1 =	slt.u32 s9, $0xF7A;
	s5 =	simm.s32 @!p2 $0x0  }
0x1d: {  	s5 =	simm.s32 @p1 $0x1;
	p0 =	seq.s32 s7, s2  }
0x1e: {  	s7 =	smul.u32 @!p0 $0xF7A, s2;
	p2 =	seq.s32 @!p0 s5, $0x0  }
0x1f: {  	s9 =	smul.u32 $0xF7A, s1;
	s8 =	simm.s32 @!p0 $0x1BF5;
	p2 =	por !p2, p0  }
0x20: {  	[sflag:s8] =	ssyncset.s32 @!p0 $0xFFFFF086;
	s6 =	sadd.s32 @!p0 s3, s7;
	s7 =	simm.s32 @!p0 $0x108  }
0x21: {  	s3 =	sadd.s32 s3, s9;
	s6 =	sadd.s32 @!p0 $0x88, s6;
	s7 =	simm.s32 @p2 $0x1082  }
0x22: {  	[simem:s7], [sflag:s8] =	dma.local @!p0 [hbm:s6], $0xF7A  }
0x23: {  	s9 =	sor.u32 $0xD0000000, s2;
	s6 =	simm.s32 $0x108;
	_ =	swait.ge @!p0 [sflag:s8], $0x0  }
0x24: {  	s3 =	sadd.s32 $0x88, s3;
	s6 =	simm.s32 @!p1 $0x1082;
	[sflag:s4] =	ssyncset.s32 $0xFFFFF086  }
0x25: {  	[simem:s6], [sflag:s4] =	dma.local [hbm:s3], $0xF7A  }
0x26: {  	[smem:$0x3F9F] =	sst s1;
	(tag) =	ssettag s2;
	_ =	strace s9  }
0x27: {  	s1 =	sld [smem:$0x3FAF]  }
0x28: {  	s2 =	sld [smem:$0x3FB0]  }
0x29: {  	s4 =	sld [smem:$0x3FB2]  }
0x2a: {  	p0 =	seq.s32 s5, $0x0;
	s5 =	sld [smem:$0x3FB3]  }
0x2b: {  	s6 =	sld [smem:$0x3FB4]  }
0x2c: {  	s7 =	sld [smem:$0x3FB5]  }
0x2d: {  	s3 =	simm.s32 $0x108;
	s8 =	sld [smem:$0x3FB6]  }
0x2e: {  	s3 =	simm.s32 @!p0 $0x1082;
	s9 =	sld [smem:$0x3FB7]  }
0x2f: {  	lr =	sadd.s32 s0, s3;
	s0 =	sld [smem:$0x3FAE]  }
0x30: {  	s3 =	sld [smem:$0x3FB1]  }
0x31: {  	[smem:$0x3FBA] =	sst s10  }
0x32: {  	s10 =	sld [smem:$0x3FB8];
	_ =	sdelay $0x3  }
0x33: {  	p0 =	seq.s32 s10, $0x1;
	s10 =	sld [smem:$0x3FBA];
	_ =	sdelay $0x3  }
0x34: {  	[smem:$0x3FBA] =	sst s10  }
0x35: {  	s10 =	sld [smem:$0x3FB9];
	_ =	sdelay $0x3  }
0x36: {  	p1 =	seq.s32 s10, $0x1;
	s10 =	sld [smem:$0x3FBA];
	_ =	sdelay $0x3  }
0x37: {  	[smem:$0x3FBA] =	sst s10  }
0x38: {  	s10 =	sld [smem:$0x3FBB]  }
0x39: {  	_ = 	snop;
	(pc) =	sbr.ind lr, $3  }
0x3a: {  	_ = 	snop  }
0x3b: {  	_ = 	snop  }
0x3c: {  	p2 =	seq.s32 s10, $0x1;
	s10 =	sld [smem:$0x3FBA]  }
0x3d: {  	_ =	shalt  }
0x3e: {  	_ =	shalt  }
0x3f: {  	_ =	shalt  }
0x40: {  	_ =	shalt  }
0x41: {  	_ =	shalt  }
0x42: {  	_ =	shalt  }
0x43: {  	_ =	shalt  }
0x44: {  	_ =	shalt  }
0x45: {  	_ =	shalt  }
0x46: {  	_ =	shalt  }
0x47: {  	_ =	shalt  }
0x48: {  	_ =	shalt  }
0x49: {  	_ =	shalt  }
0x4a: {  	_ =	shalt  }
0x4b: {  	_ =	shalt  }
0x4c: {  	_ =	shalt  }
0x4d: {  	_ =	shalt  }
0x4e: {  	_ =	shalt  }
0x4f: {  	_ =	shalt  }
0x50: {  	_ =	shalt  }
0x51: {  	_ =	shalt  }
0x52: {  	_ =	shalt  }
0x53: {  	_ =	shalt  }
0x54: {  	_ =	shalt  }
0x55: {  	_ =	shalt  }
0x56: {  	_ =	shalt  }
0x57: {  	_ =	shalt  }
0x58: {  	_ =	shalt  }
0x59: {  	_ =	shalt  }
0x5a: {  	_ =	shalt  }
0x5b: {  	_ =	shalt  }
0x5c: {  	_ =	shalt  }
0x5d: {  	_ =	shalt  }
0x5e: {  	_ =	shalt  }
0x5f: {  	_ =	shalt  }
0x60: {  	_ =	shalt  }
0x61: {  	_ =	shalt  }
0x62: {  	_ =	shalt  }
0x63: {  	_ =	shalt  }
0x64: {  	_ =	shalt  }
0x65: {  	_ =	shalt  }
0x66: {  	_ =	shalt  }
0x67: {  	_ =	shalt  }
0x68: {  	_ =	shalt  }
0x69: {  	_ =	shalt  }
0x6a: {  	_ =	shalt  }
0x6b: {  	_ =	shalt  }
0x6c: {  	_ =	shalt  }
0x6d: {  	_ =	shalt  }
0x6e: {  	_ =	shalt  }
0x6f: {  	_ =	shalt  }
0x70: {  	_ =	shalt  }
0x71: {  	_ =	shalt  }
0x72: {  	_ =	shalt  }
0x73: {  	_ =	shalt  }
0x74: {  	_ =	shalt  }
0x75: {  	_ =	shalt  }
0x76: {  	_ =	shalt  }
0x77: {  	_ =	shalt  }
0x78: {  	_ =	shalt  }
0x79: {  	_ =	shalt  }
0x7a: {  	_ =	shalt  }
0x7b: {  	_ =	shalt  }
0x7c: {  	_ =	shalt  }
0x7d: {  	_ =	shalt  }
0x7e: {  	_ =	shalt  }
0x7f: {  	_ =	shalt  }
0x80: {  	_ =	shalt  }
0x81: {  	_ =	shalt  }
0x82: {  	_ =	shalt  }
0x83: {  	_ =	shalt  }
0x84: {  	_ =	shalt  }
0x85: {  	_ =	shalt  }
0x86: {  	_ =	shalt  }
0x87: {  	_ =	shalt  }
.Lfunc_end0:
.L_simem_size_0:
called_computation_lowered:
.L_overlay_start_0:
0x88: {  	s2 =	sld [smem:$0x3FD9]  }
0x89: {  	s3 =	sld [smem:$0x3FFE];
	_ =	sdelay $0x1  }
0x8a: {  	s1 =	srdreg.scid  }
0x8b: {  	s0 =	sand.u32 $0x1, s1  }
0x8c: {  	s18 =	sshll.u32 s0, $0xA;
	s2 =	sadd.s32 s3, s2  }
0x8d: {  	s2 =	sadd.s32 s2, s18  }
0x8e: {  	[smem:$0x3FC6] =	sst s2  }
0x8f: {  	_ = 	snop  }
0x90: {  	s2 =	sld [smem:$0x3FC9]  }
0x91: {  	s19 =	sld [smem:$0x3FC8]  }
0x92: {  	s4 =	sld [smem:$0x3FD0];
	(tm) =	ssettm $0x1  }
0x93: {  	s5 =	sld [smem:$0x3FFB];
	_ =	sdelay $0x3  }
0x94: {  	_ =	strace s5  }
0x95: {  	s5 =	sld [smem:$0x3FFC];
	_ =	sdelay $0x3  }
0x96: {  	_ =	strace s5  }
0x97: {  	s5 =	sld [smem:$0x3FFD];
	_ =	sdelay $0x3  }
0x98: {  	_ =	strace s5  }
0x99: {  	_ =	strace $0x8FFFFFFF  }
0x9a: {  	s20 =	sld [smem:$0x3FDB];
	_ =	sdelay $0x1  }
0x9b: {  	s6 =	simm.s32 $_scs_section_size  }
0x9c: {  	s7 =	simm.s32 $_size__tile_overlayer_lowered;
	s8 =	simm.s32 $_tile_overlayer_lowered  }
0x9d: {  	s23 =	simm.s32 $0x1BFF;
	s22 =	sshll.u32 s8, $0x1;
	s5 =	sadd.s32 s6, s20  }
0x9e: {  	s9 =	simm.s32 $0x0;
	s21 =	sshll.u32 s7, $0x1;
	s7 =	sadd.s32 s22, s5  }
0x9f: {  	[timem:s9], [sflag:s23] =	dma.local [hbm:s7], s21  }
0xa0: {  	_ =	swait.ge [sflag:s23], s21  }
0xa1: {  	s6 =	ssub.s32 $0x0, s21;
	[sflag:s23] =	ssyncset.done $0x0  }
0xa2: {  	[sflag:s23] =	ssyncadd.s32 s6;
	_ =	sdelay $0x1  }
0xa3: {  	s24 =	simm.s32 $0x1B8B  }
0xa4: {  	_ =	swait.ge [sflag:s24], $0x1  }
0xa5: {  	[sflag:s24] =	ssyncset.done $0x0  }
0xa6: {  	s25 =	simm.s32 $0x1B8E;
	[sflag:s24] =	ssyncadd.s32 $0xFFFFFFFF  }
0xa7: {  	s26 =	simm.s32 $execute0_lowered;
	[smem:$0x3FD2] =	sst s25  }
0xa8: {  	s6 =	sshll.u32 s26, $0x1;
	_ =	strace $0x80000046;
	[dreg:$0x1] =	wrdreg $0xFFFFFFFF  }
0xa9: {  	s28 =	simm.s32 $_size_execute0_lowered;
	s5 =	sadd.s32 s5, s6;
	[dreg:$0x0] =	wrdreg $0x0  }
0xaa: {  	s6 =	sshll.u32 s28, $0x1;
	[dreg:$0x2] =	wrdreg s5  }
0xab: {  	[dreg:$0x3] =	wrdreg s6  }
0xac: {  	[dreg:$0x4] =	wrdreg $0xC0  }
0xad: {  	_ =	task [dreg:s9], $0x5FFFF  }
0xae: {  	[dreg:$0x1] =	wrdreg $0xFFFFFFFF  }
0xaf: {  	[dreg:$0x0] =	wrdreg $0x60  }
0xb0: {  	[dreg:$0x2] =	wrdreg s2  }
0xb1: {  	[dreg:$0x3] =	wrdreg s19  }
0xb2: {  	[dreg:$0x4] =	wrdreg s4  }
0xb3: {  	[dreg:$0x5] =	wrdreg $0x9  }
0xb4: {  	_ =	task.clear_ibuf [dreg:s9], $0x6FFFF;
	_ =	strace $0x90000046  }
0xb5: {  	s29 =	simm.s32 $0x9;
	_ =	strace $0x80000051  }
0xb6: {  	_ =	swait.ge [sflag:s29], $0x1  }
0xb7: {  	[sflag:s29] =	ssyncadd.s32 $0xFFFFFFFF  }
0xb8: {  	_ =	strace $0x90000051  }
0xb9: {  	_ =	sfence  }
0xba: {  	s30 =	sld [smem:$0x0];
	_ =	sdelay $0x2  }
0xbb: {  	s31 =	sshll.u32 s1, $0xD;
	s1 =	sshrl.u32 s1, $0x2  }
0xbc: {  	s3 =	sand.u32 $0x4000, s31;
	s1 =	sadd.s32 s1, s30  }
0xbd: {  	s0 =	sor.u32 s3, s0;
	s1 =	sshll.u32 s1, $0x11  }
0xbe: {  	s0 =	sor.u32 s1, s0  }
0xbf: {  	s0 =	sadd.s32 $0x8F2B, s0  }
0xc0: {  	[sflag:s0] =	ssyncadd.remote.s32 $0x1  }
0xc1: {  	_ =	sfence.sel $0xFFFF  }
0xc2: {  	[dreg:$0x0] =	wrdreg $0xFFFFFFFF;
	(pc) =	sbr.abs _section_cstart, $3  }
0xc3: {  	[dreg:$0x1] =	wrdreg $0xFFFFFFFF  }
0xc4: {  	_ =	task.clear_ibuf [dreg:s9], $0x2FFFF;
	_ =	strace $0x9FFFFFFF  }
0xc5: {  	(tm) =	ssettm $0x7FFFFFFF  }
tec
execute0_lowered:
.L_overlay_start_1:
0x0: {  	(tag) =	ssettag $0x1  }
0x1: {  	s1 =	rddreg [dreg:$0x0]  }
0x2: {  	s2 =	rddreg [dreg:$0x1]  }
0x3: {  	s3 =	rddreg [dreg:$0x2];
	s0 =	srdreg.scid;
	s5 =	simm.s32 $0x0  }
0x4: {  	s7 =	stileid.u32;
	s11 =	simm.s32 $0x0;
	s0 =	sand.u32 $0x1, s0  }
0x5: {  	[smem:$0x7FF] =	sst s5;
	s4 =	ssub.s32 $0x2, s0;
	s0 =	sshll.u32 s0, $0x4  }
0x6: {  	_ =	strace $0x80000047;
	s6 =	sshrl.u32 s4, $0x1;
	s0 =	sor.u32 s7, s0  }
0x7: {  	s4 =	ssub.s32 s4, s6;
	s8 =	sshll.u32 s0, $0x10;
	s6 =	sshll.u32 s0, $0x5  }
0x8: {  	s7 =	sadd.s32 s1, s8;
	s8 =	sadd.s32 s2, s8;
	s9 =	smax.u32 s4, $0x1  }
.LBB2_1:
0x9: {  	_ =	strace $0x80000048;
	s0 =	simm.s32 $0x8000;
	s13 =	simm.s32 $0x0  }
0xa: {  	s21 =	simm.s32 $0x0;
	s12 =	simm.s32 $0x0;
	s14 =	simm.s32 $0x0  }
0xb: {  	[tilespmem:s5], [sflag:$0x1] =	stream.linear.gather [hbm4b:s7+s5], $0x4000, $0x200038;
	[tilespmem:$0x18000] =	vst v63  }
0xc: {  	s15 =	simm.s32 $0x0;
	s16 =	simm.s32 $0x1;
	s17 =	simm.s32 $0x0  }
0xd: {  	[tilespmem:s0], [sflag:$0x3] =	stream.linear.gather [hbm4b:s8+s5], $0x4000, $0x200038;
	[tilespmem:$0x18000] =	vst v63  }
0xe: {  	s18 =	simm.s32 $0x1;
	s19 =	simm.s32 $0x0;
	_ =	strace $0x90000048  }
.LBB2_2:
0xf: {  	s0 =	smov.u32 s13;
	s13 =	sadd.s32 $0x1, s13  }
0x10: {  	s4 =	simm.s32 $0x1;
	p0 =	seq.s32 s13, $0x20  }
0x11: {  	s4 =	simm.s32 @!p0 $0x0  }
0x12: {  	s20 =	sadd.s32 s4, s21  }
0x13: {  	p1 =	seq.s32 s20, $0x4  }
0x14: {  	s13 =	simm.s32 @p0 $0x0;
	s20 =	simm.s32 @p1 $0x0  }
0x15: {  	p0 =	sne.s32 s0, s13;
	p1 =	sne.s32 s21, s20  }
0x16: {  	p6 =	sne.s32 s19, $0x7F;
	p2 =	por p0, p1  }
0x17: {  	p1 =	por !p6, !p0;
	p3 =	por !p6, !p2  }
0x18: {  	s4 =	sadd.s32 s6, s13;
	p1 =	por !p1, !p1;
	p3 =	por !p3, !p3  }
0x19: {  	s22 =	sshll.u32 @p3 s20, $0x18;
	s23 =	sshll.u32 @p3 s4, $0xE;
	_ =	strace @p3 $0x80000049  }
0x1a: {  	s25 =	simm.s32 @p3 $0x0;
	s4 =	sshll.u32 @p1 s4, $0xB;
	s22 =	sadd.s32 @p3 s23, s22  }
0x1b: {  	s23 =	sand.u32 @p3 $0x1, s18;
	s4 =	sand.u32 @p1 $0x1FFFF800, s4;
	s22 =	sshrl.u32 @p3 s22, $0x3  }
0x1c: {  	s24 =	sshll.u32 @p3 s23, $0xE;
	s23 =	sadd.s32 @p3 $0x1, s23;
	s22 =	sadd.s32 @p3 s1, s22  }
0x1d: {  	[tilespmem:s24], [sflag:s23] =	stream.linear.gather @p3 [hbm4b:s22+s25], $0x4000, $0x200038;
	[tilespmem:$0x18000] =	vst v63  }
0x1e: {  	s4 =	sadd.s32 @p1 s2, s4;
	s22 =	sand.u32 @p1 $0x1, s16  }
0x1f: {  	s24 =	simm.s32 @p1 $0x0;
	_ =	strace @p3 $0x90000049;
	s23 =	sshll.u32 @p1 s22, $0xE  }
0x20: {  	s22 =	sadd.s32 @p1 $0x3, s22;
	_ =	strace @p1 $0x8000004A;
	s23 =	sor.u32 @p1 $0x8000, s23  }
0x21: {  	[tilespmem:s23], [sflag:s22] =	stream.linear.gather @p1 [hbm4b:s4+s24], $0x4000, $0x200038;
	[tilespmem:$0x18000] =	vst v63  }
0x22: {  	s23 =	sand.u32 $0x1, s17;
	_ =	strace @p1 $0x9000004A  }
0x23: {  	s4 =	sadd.s32 $0x1, s23;
	_ =	strace $0x8000004B  }
0x24: {  	s26 =	sshll.u32 s15, $0xE;
	_ =	swait.ge [sflag:s4], $0x4000  }
0x25: {  	s30 =	simm.s32 $0x0;
	s10 =	sand.u32 $0x4000, s26;
	[sflag:s4] =	ssyncset.done $0x0  }
0x26: {  	s28 =	sand.u32 $0x70, s30;
	s26 =	sor.u32 $0x8000, s10;
	[sflag:s4] =	ssyncadd.s32 $0xFFFFC000  }
0x27: {  	s25 =	sshll.u32 s17, $0xE;
	s24 =	sand.u32 $0x1, s15;
	_ =	strace $0x9000004B  }
0x28: {  	s23 =	simm.s32 $0x1;
	s4 =	sadd.s32 $0x3, s24;
	_ =	strace $0x8000004C  }
0x29: {  	v2 =	vmov s26;
	s25 =	sand.u32 $0x4000, s25;
	s23 =	simm.s32 @!p3 $0x0;
	_ =	swait.ge [sflag:s4], $0x4000  }
0x2a: {  	v1 =	vmov s25;
	s18 =	sadd.s32 s23, s18;
	s23 =	sand.u32 $0x1, s14;
	[sflag:s4] =	ssyncset.done $0x0  }
0x2b: {  	s29 =	sand.u32 $0x3C00, s30;
	s24 =	sshll.u32 s23, $0xE;
	[sflag:s4] =	ssyncadd.s32 $0xFFFFC000  }
0x2c: {  	s31 =	sor.u32 s28, s29;
	s24 =	sor.u32 $0x10000, s24;
	_ =	strace $0x9000004C  }
0x2d: {  	s22 =	sadd.s32 s6, s0;
	s0 =	simm.s32 $0x80;
	v0 =	vmov s24;
	_ =	strace $0x8000004D  }
.LBB2_3:
0x2e: {  	p3 =	sne.s32 s0, $0x3F80;
	v3 =	vld.idx.msk [tilespmem:v2+s31+$0x0 ss:$0x1], $0xffff  }
0x2f: {  	v4 =	vld.idx.msk [tilespmem:v1+s31+$0x0 ss:$0x1], $0xffff;
	_ =	sdelay $0x3  }
.Ltmp0:
0x30: {  	(pc) =	sbr.rel @p3 .LBB2_3-.Ltmp0, $4  }
0x31: {  	_ = 	snop  }
0x32: {  	s30 =	sadd.s32 $0x10, s30;
	v3 =	vadd.f32 v3, v4  }
0x33: {  	s10 =	sand.u32 $0x3C00, s0;
	s4 =	sand.u32 $0x70, s30  }
0x34: {  	s0 =	sadd.s32 $0x80, s0;
	[tilespmem:v0+s31+$0x0 ss:$0x1] =	vst.idx.msk $0xffff, v3;
	s31 =	sor.u32 s4, s10  }
0x35: {  	_ =	sdelay $0x3  }
0x36: {  	v2 =	vld.idx.msk [tilespmem:v2+s31+$0x0 ss:$0x1], $0xffff  }
0x37: {  	v1 =	vld.idx.msk [tilespmem:v1+s31+$0x0 ss:$0x1], $0xffff;
	_ =	sdelay $0x4  }
0x38: {  	s0 =	sor.u32 s28, s29;
	v1 =	vadd.f32 v2, v1  }
0x39: {  	s28 =	sor.u32 $0x80, s0  }
0x3a: {  	s0 =	sadd.s32 s28, s26;
	[tilespmem:v0+s31+$0x0 ss:$0x1] =	vst.idx.msk $0xffff, v1  }
0x3b: {  	s4 =	sadd.s32 s28, s25;
	v0 =	vld [tilespmem:s0+$0x0]  }
0x3c: {  	v1 =	vld [tilespmem:s4+$0x0];
	_ =	sdelay $0x2  }
0x3d: {  	s10 =	simm.s32 $0x80;
	s29 =	simm.s32 $0x10  }
0x3e: {  	s31 =	sand.u32 $0x70, s29;
	s0 =	sand.u32 $0x3C00, s10  }
0x3f: {  	s30 =	simm.s32 $0x100;
	s0 =	sor.u32 s31, s0;
	v0 =	vadd.f32 v0, v1  }
.LBB2_5:
0x40: {  	p3 =	sne.s32 s30, $0x3F80;
	s4 =	sadd.s32 s28, s24;
	s28 =	sor.u32 $0x80, s0  }
0x41: {  	s0 =	sadd.s32 s28, s26;
	[tilespmem:s4+$0x0] =	vst v0  }
0x42: {  	s4 =	sadd.s32 s28, s25;
	v0 =	vld [tilespmem:s0+$0x0]  }
0x43: {  	v1 =	vld [tilespmem:s4+$0x0]  }
.Ltmp1:
0x44: {  	(pc) =	sbr.rel @p3 .LBB2_5-.Ltmp1, $4  }
0x45: {  	_ = 	snop  }
0x46: {  	s29 =	sadd.s32 $0x10, s29  }
0x47: {  	s0 =	sand.u32 $0x70, s29;
	s4 =	sand.u32 $0x3C00, s30  }
0x48: {  	s30 =	sadd.s32 $0x80, s30;
	s0 =	sor.u32 s0, s4;
	v0 =	vadd.f32 v0, v1  }
0x49: {  	s0 =	sor.u32 $0x80, s0;
	s4 =	sadd.s32 s28, s24  }
0x4a: {  	s10 =	sadd.s32 s0, s26;
	[tilespmem:s4+$0x0] =	vst v0  }
0x4b: {  	s4 =	sadd.s32 s0, s25;
	v0 =	vld [tilespmem:s10+$0x0]  }
0x4c: {  	v1 =	vld [tilespmem:s4+$0x0];
	_ =	sdelay $0x2  }
0x4d: {  	s4 =	simm.s32 $0x0  }
0x4e: {  	s10 =	sand.u32 $0x70, s4;
	s4 =	sand.u32 $0x3C00, s4  }
0x4f: {  	s28 =	sor.u32 s10, s4;
	v0 =	vadd.f32 v0, v1  }
0x50: {  	s0 =	sadd.s32 s0, s24;
	s30 =	sor.u32 $0x100, s28  }
0x51: {  	s4 =	sadd.s32 s30, s26;
	[tilespmem:s0+$0x0] =	vst v0  }
0x52: {  	s10 =	sadd.s32 s30, s25;
	v0 =	vld [tilespmem:s4+$0x0]  }
0x53: {  	v1 =	vld [tilespmem:s10+$0x0];
	_ =	sdelay $0x2  }
0x54: {  	s31 =	simm.s32 $0x10;
	s4 =	simm.s32 $0x80  }
0x55: {  	s10 =	sand.u32 $0x70, s31;
	s29 =	sand.u32 $0x3C00, s4  }
0x56: {  	s0 =	simm.s32 $0x100;
	s4 =	sor.u32 s10, s29;
	v0 =	vadd.f32 v0, v1  }
.LBB2_7:
0x57: {  	p3 =	sne.s32 s0, $0x3F80;
	s10 =	sadd.s32 s30, s24;
	s30 =	sor.u32 $0x100, s4  }
0x58: {  	s4 =	sadd.s32 s30, s26;
	[tilespmem:s10+$0x0] =	vst v0  }
0x59: {  	s10 =	sadd.s32 s30, s25;
	v0 =	vld [tilespmem:s4+$0x0]  }
0x5a: {  	v1 =	vld [tilespmem:s10+$0x0]  }
.Ltmp2:
0x5b: {  	(pc) =	sbr.rel @p3 .LBB2_7-.Ltmp2, $4  }
0x5c: {  	_ = 	snop  }
0x5d: {  	s31 =	sadd.s32 $0x10, s31  }
0x5e: {  	s4 =	sand.u32 $0x70, s31;
	s10 =	sand.u32 $0x3C00, s0  }
0x5f: {  	s0 =	sadd.s32 $0x80, s0;
	s4 =	sor.u32 s4, s10;
	v0 =	vadd.f32 v0, v1  }
0x60: {  	s0 =	sor.u32 $0x100, s4;
	s31 =	sadd.s32 s30, s24  }
0x61: {  	s10 =	sadd.s32 s0, s26;
	[tilespmem:s31+$0x0] =	vst v0  }
0x62: {  	s31 =	sadd.s32 s0, s25;
	v0 =	vld [tilespmem:s10+$0x0]  }
0x63: {  	v1 =	vld [tilespmem:s31+$0x0];
	_ =	sdelay $0x4  }
0x64: {  	v0 =	vadd.f32 v0, v1  }
0x65: {  	s28 =	sor.u32 $0x180, s28;
	s0 =	sadd.s32 s0, s24  }
0x66: {  	s4 =	sadd.s32 s28, s26;
	[tilespmem:s0+$0x0] =	vst v0  }
0x67: {  	s10 =	sadd.s32 s28, s25;
	v0 =	vld [tilespmem:s4+$0x0]  }
0x68: {  	v1 =	vld [tilespmem:s10+$0x0];
	_ =	sdelay $0x2  }
0x69: {  	s30 =	simm.s32 $0x10  }
0x6a: {  	s31 =	sand.u32 $0x70, s30  }
0x6b: {  	s0 =	simm.s32 $0x100;
	s4 =	sor.u32 s31, s29;
	v0 =	vadd.f32 v0, v1  }
.LBB2_9:
0x6c: {  	p3 =	sne.s32 s0, $0x3F80;
	s10 =	sadd.s32 s28, s24;
	s28 =	sor.u32 $0x180, s4  }
0x6d: {  	s4 =	sadd.s32 s28, s26;
	[tilespmem:s10+$0x0] =	vst v0  }
0x6e: {  	s10 =	sadd.s32 s28, s25;
	v0 =	vld [tilespmem:s4+$0x0]  }
0x6f: {  	v1 =	vld [tilespmem:s10+$0x0]  }
.Ltmp3:
0x70: {  	(pc) =	sbr.rel @p3 .LBB2_9-.Ltmp3, $4  }
0x71: {  	_ = 	snop  }
0x72: {  	s30 =	sadd.s32 $0x10, s30  }
0x73: {  	s4 =	sand.u32 $0x70, s30;
	s10 =	sand.u32 $0x3C00, s0  }
0x74: {  	s0 =	sadd.s32 $0x80, s0;
	s4 =	sor.u32 s4, s10;
	v0 =	vadd.f32 v0, v1  }
0x75: {  	s0 =	sor.u32 $0x180, s4;
	s4 =	sadd.s32 s28, s24  }
0x76: {  	s10 =	sadd.s32 s0, s26;
	[tilespmem:s4+$0x0] =	vst v0  }
0x77: {  	s4 =	sadd.s32 s0, s25;
	v0 =	vld [tilespmem:s10+$0x0]  }
0x78: {  	v1 =	vld [tilespmem:s4+$0x0];
	_ =	sdelay $0x2  }
0x79: {  	s4 =	simm.s32 $0x0  }
0x7a: {  	s10 =	sand.u32 $0x70, s4;
	s4 =	sand.u32 $0x3C00, s4  }
0x7b: {  	s28 =	sor.u32 s10, s4;
	v0 =	vadd.f32 v0, v1  }
0x7c: {  	s0 =	sadd.s32 s0, s24;
	s30 =	sor.u32 $0x200, s28  }
0x7d: {  	s4 =	sadd.s32 s30, s26;
	[tilespmem:s0+$0x0] =	vst v0  }
0x7e: {  	s10 =	sadd.s32 s30, s25;
	v0 =	vld [tilespmem:s4+$0x0]  }
0x7f: {  	v1 =	vld [tilespmem:s10+$0x0];
	_ =	sdelay $0x2  }
0x80: {  	s31 =	simm.s32 $0x10;
	s4 =	simm.s32 $0x80  }
0x81: {  	s10 =	sand.u32 $0x70, s31;
	s29 =	sand.u32 $0x3C00, s4  }
0x82: {  	s0 =	simm.s32 $0x100;
	s4 =	sor.u32 s10, s29;
	v0 =	vadd.f32 v0, v1  }
.LBB2_11:
0x83: {  	p3 =	sne.s32 s0, $0x3F80;
	s10 =	sadd.s32 s30, s24;
	s30 =	sor.u32 $0x200, s4  }
0x84: {  	s4 =	sadd.s32 s30, s26;
	[tilespmem:s10+$0x0] =	vst v0  }
0x85: {  	s10 =	sadd.s32 s30, s25;
	v0 =	vld [tilespmem:s4+$0x0]  }
0x86: {  	v1 =	vld [tilespmem:s10+$0x0]  }
.Ltmp4:
0x87: {  	(pc) =	sbr.rel @p3 .LBB2_11-.Ltmp4, $4  }
0x88: {  	_ = 	snop  }
0x89: {  	s31 =	sadd.s32 $0x10, s31  }
0x8a: {  	s4 =	sand.u32 $0x70, s31;
	s10 =	sand.u32 $0x3C00, s0  }
0x8b: {  	s0 =	sadd.s32 $0x80, s0;
	s4 =	sor.u32 s4, s10;
	v0 =	vadd.f32 v0, v1  }
0x8c: {  	s0 =	sor.u32 $0x200, s4;
	s31 =	sadd.s32 s30, s24  }
0x8d: {  	s10 =	sadd.s32 s0, s26;
	[tilespmem:s31+$0x0] =	vst v0  }
0x8e: {  	s31 =	sadd.s32 s0, s25;
	v0 =	vld [tilespmem:s10+$0x0]  }
0x8f: {  	v1 =	vld [tilespmem:s31+$0x0];
	_ =	sdelay $0x4  }
0x90: {  	v0 =	vadd.f32 v0, v1  }
0x91: {  	s28 =	sor.u32 $0x280, s28;
	s0 =	sadd.s32 s0, s24  }
0x92: {  	s4 =	sadd.s32 s28, s26;
	[tilespmem:s0+$0x0] =	vst v0  }
0x93: {  	s10 =	sadd.s32 s28, s25;
	v0 =	vld [tilespmem:s4+$0x0]  }
0x94: {  	v1 =	vld [tilespmem:s10+$0x0];
	_ =	sdelay $0x2  }
0x95: {  	s30 =	simm.s32 $0x10  }
0x96: {  	s31 =	sand.u32 $0x70, s30  }
0x97: {  	s0 =	simm.s32 $0x100;
	s4 =	sor.u32 s31, s29;
	v0 =	vadd.f32 v0, v1  }
.LBB2_13:
0x98: {  	p3 =	sne.s32 s0, $0x3F80;
	s10 =	sadd.s32 s28, s24;
	s28 =	sor.u32 $0x280, s4  }
0x99: {  	s4 =	sadd.s32 s28, s26;
	[tilespmem:s10+$0x0] =	vst v0  }
0x9a: {  	s10 =	sadd.s32 s28, s25;
	v0 =	vld [tilespmem:s4+$0x0]  }
0x9b: {  	v1 =	vld [tilespmem:s10+$0x0]  }
.Ltmp5:
0x9c: {  	(pc) =	sbr.rel @p3 .LBB2_13-.Ltmp5, $4  }
0x9d: {  	_ = 	snop  }
0x9e: {  	s30 =	sadd.s32 $0x10, s30  }
0x9f: {  	s4 =	sand.u32 $0x70, s30;
	s10 =	sand.u32 $0x3C00, s0  }
0xa0: {  	s0 =	sadd.s32 $0x80, s0;
	s4 =	sor.u32 s4, s10;
	v0 =	vadd.f32 v0, v1  }
0xa1: {  	s0 =	sor.u32 $0x280, s4;
	s4 =	sadd.s32 s28, s24  }
0xa2: {  	s10 =	sadd.s32 s0, s26;
	[tilespmem:s4+$0x0] =	vst v0  }
0xa3: {  	s4 =	sadd.s32 s0, s25;
	v0 =	vld [tilespmem:s10+$0x0]  }
0xa4: {  	v1 =	vld [tilespmem:s4+$0x0];
	_ =	sdelay $0x2  }
0xa5: {  	s4 =	simm.s32 $0x0  }
0xa6: {  	s10 =	sand.u32 $0x70, s4;
	s4 =	sand.u32 $0x3C00, s4  }
0xa7: {  	s28 =	sor.u32 s10, s4;
	v0 =	vadd.f32 v0, v1  }
0xa8: {  	s0 =	sadd.s32 s0, s24;
	s30 =	sor.u32 $0x300, s28  }
0xa9: {  	s4 =	sadd.s32 s30, s26;
	[tilespmem:s0+$0x0] =	vst v0  }
0xaa: {  	s10 =	sadd.s32 s30, s25;
	v0 =	vld [tilespmem:s4+$0x0]  }
0xab: {  	v1 =	vld [tilespmem:s10+$0x0];
	_ =	sdelay $0x2  }
0xac: {  	s31 =	simm.s32 $0x10;
	s4 =	simm.s32 $0x80  }
0xad: {  	s10 =	sand.u32 $0x70, s31;
	s29 =	sand.u32 $0x3C00, s4  }
0xae: {  	s0 =	simm.s32 $0x100;
	s4 =	sor.u32 s10, s29;
	v0 =	vadd.f32 v0, v1  }
.LBB2_15:
0xaf: {  	p3 =	sne.s32 s0, $0x3F80;
	s10 =	sadd.s32 s30, s24;
	s30 =	sor.u32 $0x300, s4  }
0xb0: {  	s4 =	sadd.s32 s30, s26;
	[tilespmem:s10+$0x0] =	vst v0  }
0xb1: {  	s10 =	sadd.s32 s30, s25;
	v0 =	vld [tilespmem:s4+$0x0]  }
0xb2: {  	v1 =	vld [tilespmem:s10+$0x0]  }
.Ltmp6:
0xb3: {  	(pc) =	sbr.rel @p3 .LBB2_15-.Ltmp6, $4  }
0xb4: {  	_ = 	snop  }
0xb5: {  	s31 =	sadd.s32 $0x10, s31  }
0xb6: {  	s4 =	sand.u32 $0x70, s31;
	s10 =	sand.u32 $0x3C00, s0  }
0xb7: {  	s0 =	sadd.s32 $0x80, s0;
	s4 =	sor.u32 s4, s10;
	v0 =	vadd.f32 v0, v1  }
0xb8: {  	s0 =	sor.u32 $0x300, s4;
	s31 =	sadd.s32 s30, s24  }
0xb9: {  	s10 =	sadd.s32 s0, s26;
	[tilespmem:s31+$0x0] =	vst v0  }
0xba: {  	s31 =	sadd.s32 s0, s25;
	v0 =	vld [tilespmem:s10+$0x0]  }
0xbb: {  	v1 =	vld [tilespmem:s31+$0x0];
	_ =	sdelay $0x4  }
0xbc: {  	v0 =	vadd.f32 v0, v1  }
0xbd: {  	s28 =	sor.u32 $0x380, s28;
	s0 =	sadd.s32 s0, s24  }
0xbe: {  	s4 =	sadd.s32 s28, s26;
	[tilespmem:s0+$0x0] =	vst v0  }
0xbf: {  	s10 =	sadd.s32 s28, s25;
	v0 =	vld [tilespmem:s4+$0x0]  }
0xc0: {  	v1 =	vld [tilespmem:s10+$0x0];
	_ =	sdelay $0x2  }
0xc1: {  	s30 =	simm.s32 $0x10  }
0xc2: {  	s31 =	sand.u32 $0x70, s30  }
0xc3: {  	s0 =	simm.s32 $0x100;
	s4 =	sor.u32 s31, s29;
	v0 =	vadd.f32 v0, v1  }
.LBB2_17:
0xc4: {  	p3 =	sne.s32 s0, $0x3F80;
	s10 =	sadd.s32 s28, s24;
	s28 =	sor.u32 $0x380, s4  }
0xc5: {  	s4 =	sadd.s32 s28, s26;
	[tilespmem:s10+$0x0] =	vst v0  }
0xc6: {  	s10 =	sadd.s32 s28, s25;
	v0 =	vld [tilespmem:s4+$0x0]  }
0xc7: {  	v1 =	vld [tilespmem:s10+$0x0]  }
.Ltmp7:
0xc8: {  	(pc) =	sbr.rel @p3 .LBB2_17-.Ltmp7, $4  }
0xc9: {  	_ = 	snop  }
0xca: {  	s30 =	sadd.s32 $0x10, s30  }
0xcb: {  	s4 =	sand.u32 $0x70, s30;
	s10 =	sand.u32 $0x3C00, s0  }
0xcc: {  	s0 =	sadd.s32 $0x80, s0;
	s4 =	sor.u32 s4, s10;
	v0 =	vadd.f32 v0, v1  }
0xcd: {  	s0 =	sor.u32 $0x380, s4;
	s30 =	sadd.s32 s28, s24  }
0xce: {  	s10 =	sadd.s32 s0, s26;
	[tilespmem:s30+$0x0] =	vst v0  }
0xcf: {  	s31 =	sadd.s32 s0, s25;
	v0 =	vld [tilespmem:s10+$0x0]  }
0xd0: {  	v1 =	vld [tilespmem:s31+$0x0];
	_ =	sdelay $0x4  }
0xd1: {  	p3 =	seq.s32 s19, $0x7F;
	v0 =	vadd.f32 v0, v1  }
0xd2: {  	s0 =	sadd.s32 s0, s24;
	p2 =	por p3, p2  }
0xd3: {  	s4 =	sshll.u32 @p2 s22, $0xE;
	[tilespmem:s0+$0x0] =	vst v0;
	s0 =	sshll.u32 @p2 s21, $0x18  }
0xd4: {  	p4 =	seq.s32 s19, $0x0;
	p0 =	por p3, p0;
	s0 =	sadd.s32 @p2 s0, s4  }
0xd5: {  	s10 =	simm.s32 @p2 $0x0;
	_ =	strace $0x9000004D;
	s0 =	sshrl.u32 @p2 s0, $0x3  }
0xd6: {  	s4 =	sadd.s32 @p2 $0x5, s23;
	_ =	strace @p2 $0x8000004E;
	s0 =	sadd.s32 @p2 s3, s0  }
0xd7: {  	[hbm4b:s0+s10] =	stream.linear.scatter @p2 [tilespmem:s24], [sflag:s4], $0x4000, $0x200038;
	[tilespmem:$0x18000] =	vst v63  }
0xd8: {  	s0 =	sand.u32 @!p4 $0x1, s12;
	s4 =	simm.s32 $0x1;
	_ =	strace @p2 $0x9000004E  }
0xd9: {  	s0 =	sadd.s32 @!p4 $0x5, s0;
	s4 =	simm.s32 @!p1 $0x0;
	p1 =	sne.s32 s19, $0x0  }
0xda: {  	s19 =	sadd.s32 $0x1, s19;
	s16 =	sadd.s32 s4, s16;
	s4 =	simm.s32 $0x1  }
0xdb: {  	_ =	strace @!p4 $0x8000004F;
	s4 =	simm.s32 @!p0 $0x0;
	p0 =	sne.s32 s19, $0x80  }
.Ltmp8:
0xdc: {  	_ =	swait.ge @!p4 [sflag:s0], $0x4000;
	(pc) =	sbr.rel @p0 .LBB2_2-.Ltmp8, $4  }
0xdd: {  	s21 =	smov.u32 s20;
	s10 =	simm.s32 $0x1;
	[sflag:s0] =	ssyncset.done @!p4 $0x0  }
0xde: {  	s10 =	simm.s32 @!p2 $0x0;
	[sflag:s0] =	ssyncadd.s32 @!p4 $0xFFFFC000;
	s0 =	simm.s32 $0x1  }
0xdf: {  	s14 =	sadd.s32 s10, s14;
	s17 =	sadd.s32 s10, s17;
	s0 =	simm.s32 @!p1 $0x0  }
0xe0: {  	s15 =	sadd.s32 s4, s15;
	_ =	strace @!p4 $0x9000004F;
	s12 =	sadd.s32 s0, s12  }
0xe1: {  	s11 =	sadd.s32 $0x1, s11  }
0xe2: {  	s0 =	sand.u32 $0x1, s12;
	p0 =	sne.s32 s11, s9  }
.Ltmp9:
0xe3: {  	_ =	strace $0x80000050;
	s0 =	sadd.s32 $0x5, s0;
	(pc) =	sbr.rel @p0 .LBB2_1-.Ltmp9, $4  }
0xe4: {  	_ =	swait.ge [sflag:s0], $0x4000  }
0xe5: {  	[sflag:s0] =	ssyncset.done $0x0  }
0xe6: {  	[sflag:s0] =	ssyncadd.s32 $0xFFFFC000  }
0xe7: {  	_ =	strace $0x90000050  }
0xe8: {  	_ =	sfence.sel $0x180000  }
0xe9: {  	[bflag:$0x0] =	sbarrier.arrive $0xFFFF  }
0xea: {  	_ =	strace $0x90000047  }
0xeb: {  	s0 =	stileid.u32;
	[bflag:$0x2] =	sbarrier.arrive $0xFFFF  }
0xec: {  	p0 =	sne.s32 s0, $0x0;
	s0 =	rddreg [dreg:$0x3]  }
0xed: {  	s0 =	sadd.s32 @!p0 $0x100000, s0  }
0xee: {  	[sflag:s0] =	ssyncadd.tile.s32 @!p0 $0x1;
	_ =	shalt  }
.Lfunc_end2:
_tile_overlayer_lowered:
.L_overlay_start_2:
0xef: {  	(tag) =	ssettag $0x2  }
0xf0: {  	s0 =	rddreg [dreg:$0x0];
	s2 =	stileid.u32  }
0xf1: {  	s1 =	rddreg [dreg:$0x1];
	p0 =	sne.s32 s2, $0x0  }
0xf2: {  	s3 =	rddreg [dreg:$0x2];
	[bflag:$0x3] =	sbarrier.arrive $0xFFFF;
	s2 =	simm.s32 @!p0 $0x1C01  }
0xf3: {  	[timem:s3], [sflag:s2] =	dma.local @!p0 [hbm:s0], s1  }
0xf4: {  	s0 =	simm.s32 @!p0 $0x1  }
0xf5: {  	_ =	swait.ge @!p0 [sflag:s0], s1  }
0xf6: {  	s1 =	ssub.s32 @!p0 $0x0, s1;
	[sflag:s0] =	ssyncset.done @!p0 $0x0  }
0xf7: {  	[sflag:s0] =	ssyncadd.s32 @!p0 s1  }
0xf8: {  	[bflag:$0x3] =	sbarrier.arrive $0xFFFF  }
0xf9: {  	_ =	shalt  }

</sc_bundles>
